<compile_context>
chip_gen: v7x
topology: tpu7x:2x2x1
jax: 0.10.2.dev20260603
libtpu: 0.0.44.dev20260713+nightly
codegen_flags: <defaults>
</compile_context>

<pallas_src>
import functools

import jax
import jax.numpy as jnp
from jax import lax
from jax.experimental import pallas as pl
from jax.experimental.pallas import tpu as pltpu
from jax.experimental.pallas import tpu_sc as plsc

N = 10000
E = 320000
D = 128
NPAD = 10240

NC = 2
NS = 16
NTILES = NC * NS
EPT = E // NTILES
CH = 128
NCH = 80
EPTP = NCH * CH
DUMMY = N
RPT = NPAD // NS

RBLK = 400



def _mm_gate_body(x_ref, wc_ref, bg_ref, sup_ref, g_ref):
    y = jnp.dot(x_ref[...], wc_ref[...], preferred_element_type=jnp.float32)
    sup_ref[...] = y[:, :D]
    g_ref[...] = jax.nn.sigmoid(y[:, D:] + bg_ref[...])


def _mm_gate(x, wc, bg):
    grid = N // RBLK
    return pl.pallas_call(
        _mm_gate_body,
        grid=(grid,),
        in_specs=[
            pl.BlockSpec((RBLK, D), lambda i: (i, 0)),
            pl.BlockSpec((D, 2 * D), lambda i: (0, 0)),
            pl.BlockSpec((1, D), lambda i: (0, 0)),
        ],
        out_specs=[
            pl.BlockSpec((RBLK, D), lambda i: (i, 0)),
            pl.BlockSpec((RBLK, D), lambda i: (i, 0)),
        ],
        out_shape=[
            jax.ShapeDtypeStruct((N, D), jnp.float32),
            jax.ShapeDtypeStruct((N, D), jnp.float32),
        ],
    )(x, wc, bg)


def _combine_mm_body(agg_ref, g_ref, x_ref, b_ref, wc_ref, bg_ref,
                     sup_ref, g1_ref):
    h = agg_ref[0] + agg_ref[1] + b_ref[...]
    g = g_ref[...]
    out0 = g * h + (1.0 - g) * x_ref[...]
    y = jnp.dot(out0, wc_ref[...], preferred_element_type=jnp.float32)
    sup_ref[...] = y[:, :D]
    g1_ref[...] = jax.nn.sigmoid(y[:, D:] + bg_ref[...])


def _combine_mm(agg2, g, x, b, wc, bg):
    grid = N // RBLK
    return pl.pallas_call(
        _combine_mm_body,
        grid=(grid,),
        in_specs=[
            pl.BlockSpec((2, RBLK, D), lambda i: (0, i, 0)),
            pl.BlockSpec((RBLK, D), lambda i: (i, 0)),
            pl.BlockSpec((RBLK, D), lambda i: (i, 0)),
            pl.BlockSpec((1, D), lambda i: (0, 0)),
            pl.BlockSpec((D, 2 * D), lambda i: (0, 0)),
            pl.BlockSpec((1, D), lambda i: (0, 0)),
        ],
        out_specs=[
            pl.BlockSpec((RBLK, D), lambda i: (i, 0)),
            pl.BlockSpec((RBLK, D), lambda i: (i, 0)),
        ],
        out_shape=[
            jax.ShapeDtypeStruct((N, D), jnp.float32),
            jax.ShapeDtypeStruct((N, D), jnp.float32),
        ],
    )(agg2, g, x, b, wc, bg)


def _combine_final_body(agg_ref, g_ref, x_ref, b_ref, out_ref):
    h = agg_ref[0] + agg_ref[1] + b_ref[...]
    g = g_ref[...]
    out_ref[...] = g * h + (1.0 - g) * x_ref[...]


def _combine_final(agg2, g, x, b):
    grid = N // RBLK
    return pl.pallas_call(
        _combine_final_body,
        grid=(grid,),
        in_specs=[
            pl.BlockSpec((2, RBLK, D), lambda i: (0, i, 0)),
            pl.BlockSpec((RBLK, D), lambda i: (i, 0)),
            pl.BlockSpec((RBLK, D), lambda i: (i, 0)),
            pl.BlockSpec((1, D), lambda i: (0, 0)),
        ],
        out_specs=pl.BlockSpec((RBLK, D), lambda i: (i, 0)),
        out_shape=jax.ShapeDtypeStruct((N, D), jnp.float32),
    )(agg2, g, x, b)



def _sc_agg_body(sup_hbm, src_hbm, dst_hbm, out_hbm,
                 sidx, didx, rows, acc, isems, dsems, gsems):
    cid = lax.axis_index("c")
    sid = lax.axis_index("s")
    wid = cid * NS + sid
    ebase = wid * EPTP

    def _zrow(r, _):
        for c in range(D // 16):
            rows[0][r, pl.ds(c * 16, 16)] = jnp.zeros((16,), jnp.float32)
        return 0
    lax.fori_loop(0, CH, _zrow, 0)
    zbase = sid * RPT
    for j in range(RPT // CH):
        pltpu.sync_copy(rows[0], acc.at[pl.ds(zbase + j * CH, CH)])
    plsc.subcore_barrier()

    def _fire_idx(k4, j):
        pltpu.async_copy(src_hbm.at[pl.ds(ebase + j * CH, CH)], sidx[k4],
                         isems[k4])
        pltpu.async_copy(dst_hbm.at[pl.ds(ebase + j * CH, CH)], didx[k4],
                         dsems[k4])

    def _wait_idx(k4):
        pltpu.make_async_copy(src_hbm.at[pl.ds(0, CH)], sidx[k4],
                              isems[k4]).wait()
        pltpu.make_async_copy(dst_hbm.at[pl.ds(0, CH)], didx[k4],
                              dsems[k4]).wait()

    def _fire_gather(k4, k2):
        pltpu.async_copy(sup_hbm.at[sidx[k4]], rows[k2], gsems[k2])

    def _wait_gather(k4, k2):
        pltpu.make_async_copy(sup_hbm.at[sidx[k4]], rows[k2],
                              gsems[k2]).wait()

    _fire_idx(0, 0)
    _fire_idx(1, 1)
    _wait_idx(0)
    _fire_gather(0, 0)

    def _quad(p, _):
        for k in range(4):
            j = 4 * p + k
            kn = (k + 1) % 4

            @pl.when(j + 1 < NCH)
            def _():
                _wait_idx(kn)
                _fire_gather(kn, (k + 1) % 2)

            _wait_gather(k, k % 2)
            pltpu.sync_copy(rows[k % 2].at[pl.ds(0, 16)],
                            acc.at[didx[k].at[pl.ds(0, 16)]], add=True)

            @pl.when(j + 2 < NCH)
            def _():
                _fire_idx((k + 2) % 4, j + 2)
        return 0
    lax.fori_loop(0, NCH // 4, _quad, 0)

    plsc.subcore_barrier()
    obase = sid * RPT
    pltpu.sync_copy(acc.at[pl.ds(obase, RPT)],
                    out_hbm.at[cid, pl.ds(obase, RPT)])


@functools.cache
def _sc_agg_kernel():
    return pl.kernel(
        _sc_agg_body,
        out_type=jax.ShapeDtypeStruct((NC, NPAD, D), jnp.float32),
        mesh=plsc.VectorSubcoreMesh(core_axis_name="c", subcore_axis_name="s",
                                    num_cores=NC, num_subcores=NS),
        scratch_types=[
            [pltpu.VMEM((CH,), jnp.int32) for _ in range(4)],
            [pltpu.VMEM((CH,), jnp.int32) for _ in range(4)],
            [pltpu.VMEM((CH, D), jnp.float32) for _ in range(2)],
            pltpu.VMEM_SHARED((NPAD, D), jnp.float32),
            [pltpu.SemaphoreType.DMA for _ in range(4)],
            [pltpu.SemaphoreType.DMA for _ in range(4)],
            [pltpu.SemaphoreType.DMA for _ in range(2)],
        ],
    )


def _prep_idx(row, pad_val):
    t = row.reshape(NTILES, EPT)
    t = jnp.pad(t, ((0, 0), (0, EPTP - EPT)), constant_values=pad_val)
    return t.reshape(NTILES * EPTP)


def _sc_agg(sup, src3, dst3):
    return _sc_agg_kernel()(sup, src3, dst3)



def kernel(x, edge_index_0, edge_index_1, W0, b0, Wg0, bg0, W1, b1, Wg1, bg1):
    assert x.shape == (N, D) and edge_index_0.shape == (2, E)

    wc0 = jnp.concatenate([W0, Wg0], axis=1)
    wc1 = jnp.concatenate([W1, Wg1], axis=1)
    b0r = b0.reshape(1, D)
    bg0r = bg0.reshape(1, D)
    b1r = b1.reshape(1, D)
    bg1r = bg1.reshape(1, D)
    src0 = _prep_idx(edge_index_0[0], 0)
    dst0 = _prep_idx(edge_index_0[1], DUMMY)
    src1 = _prep_idx(edge_index_1[0], 0)
    dst1 = _prep_idx(edge_index_1[1], DUMMY)

    sup0, g0 = _mm_gate(x, wc0, bg0r)
    agg0 = _sc_agg(sup0, src0, dst0)
    sup1, g1 = _combine_mm(agg0, g0, x, b0r, wc1, bg1r)
    agg1 = _sc_agg(sup1, src1, dst1)
    return _combine_final(agg1, g1, x, b1r)

# --- scband reference (transcript-rebuilt; emitter-appended) ---
"""Pipeline reference for scband-mrgcn-87239375716609 (READ-ONLY COPY).

The authoritative reference and input builder live on the scoring server;
editing this copy changes nothing except your own understanding.
"""

import jax, jax.numpy as jnp
import numpy as np

N = 10000
E = 320000
D = 128


def setup_inputs(seed: int = 0) -> dict:
    key = jax.random.key(seed)
    ks = jax.random.split(key, 12)
    scale = 1.0 / np.sqrt(D)
    inp = {}
    inp["x"] = jax.random.normal(ks[0], (N, D), dtype=jnp.float32)
    inp["edge_index_0"] = jax.random.randint(ks[1], (2, E), 0, N, dtype=jnp.int32)
    inp["edge_index_1"] = jax.random.randint(ks[2], (2, E), 0, N, dtype=jnp.int32)
    # layer 0 params (GatedGraphConvolution: in=128 -> out=128)
    inp["W0"] = jax.random.normal(ks[3], (D, D), dtype=jnp.float32) * scale
    inp["b0"] = jnp.zeros((D,), dtype=jnp.float32)
    inp["Wg0"] = jax.random.normal(ks[4], (D, D), dtype=jnp.float32) * scale
    inp["bg0"] = jnp.zeros((D,), dtype=jnp.float32)
    # layer 1 params (out=128 -> out=128)
    inp["W1"] = jax.random.normal(ks[5], (D, D), dtype=jnp.float32) * scale
    inp["b1"] = jnp.zeros((D,), dtype=jnp.float32)
    inp["Wg1"] = jax.random.normal(ks[6], (D, D), dtype=jnp.float32) * scale
    inp["bg1"] = jnp.zeros((D,), dtype=jnp.float32)
    return inp


def _gated_gc(x, res_x, src, dst, W, b, Wg, bg):
    # support = x @ W   (dense transform)
    support = x @ W
    # output = spmm(adj, support): binary adjacency as edge list -> gather + scatter-add
    agg = jnp.zeros((x.shape[0], W.shape[1]), dtype=support.dtype).at[dst].add(support[src])
    h = agg + b
    # gate computed from current features, blends aggregated message with residual stream
    g = jax.nn.sigmoid(x @ Wg + bg)
    out = g * h + (1.0 - g) * res_x
    return out, res_x


def reference(x, edge_index_0, edge_index_1, W0, b0, Wg0, bg0, W1, b1, Wg1, bg1):
    res_x = x
    x, res_x = _gated_gc(x, res_x, edge_index_0[0], edge_index_0[1], W0, b0, Wg0, bg0)
    x, res_x = _gated_gc(x, res_x, edge_index_1[0], edge_index_1[1], W1, b1, Wg1, bg1)
    return x

if __name__ == "__main__":
    import jax
    _d = setup_inputs()
    print(jax.jit(kernel)(*tuple(_d.values())))

</pallas_src>

<mosaic_0001>
#map = affine_map<(d0, d1) -> (0, 0)>
#map1 = affine_map<(d0, d1) -> (0)>
#map2 = affine_map<(d0, d1) -> (0, 0, 0)>
module attributes {stable_mosaic.version = 14 : i64} {
  func.func @_sc_agg_body(%arg0: i32, %arg1: i32, %arg2: memref<10000x128xf32, #tpu.memory_space<hbm>>, %arg3: memref<327680xi32, #tpu.memory_space<hbm>>, %arg4: memref<327680xi32, #tpu.memory_space<hbm>>, %arg5: memref<2x10240x128xf32, #tpu.memory_space<hbm>>, %arg6: memref<128xi32, #tpu.memory_space<vmem>>, %arg7: memref<128xi32, #tpu.memory_space<vmem>>, %arg8: memref<128xi32, #tpu.memory_space<vmem>>, %arg9: memref<128xi32, #tpu.memory_space<vmem>>, %arg10: memref<128xi32, #tpu.memory_space<vmem>>, %arg11: memref<128xi32, #tpu.memory_space<vmem>>, %arg12: memref<128xi32, #tpu.memory_space<vmem>>, %arg13: memref<128xi32, #tpu.memory_space<vmem>>, %arg14: memref<128x128xf32, #tpu.memory_space<vmem>>, %arg15: memref<128x128xf32, #tpu.memory_space<vmem>>, %arg16: memref<10240x128xf32, #tpu.memory_space<vmem_shared>>, %arg17: memref<!tpu.dma_semaphore, #tpu.memory_space<semaphore_mem>>, %arg18: memref<!tpu.dma_semaphore, #tpu.memory_space<semaphore_mem>>, %arg19: memref<!tpu.dma_semaphore, #tpu.memory_space<semaphore_mem>>, %arg20: memref<!tpu.dma_semaphore, #tpu.memory_space<semaphore_mem>>, %arg21: memref<!tpu.dma_semaphore, #tpu.memory_space<semaphore_mem>>, %arg22: memref<!tpu.dma_semaphore, #tpu.memory_space<semaphore_mem>>, %arg23: memref<!tpu.dma_semaphore, #tpu.memory_space<semaphore_mem>>, %arg24: memref<!tpu.dma_semaphore, #tpu.memory_space<semaphore_mem>>, %arg25: memref<!tpu.dma_semaphore, #tpu.memory_space<semaphore_mem>>, %arg26: memref<!tpu.dma_semaphore, #tpu.memory_space<semaphore_mem>>) attributes {dimension_semantics = [#tpu.dimension_semantics<core_parallel>, #tpu.dimension_semantics<subcore_parallel>], iteration_bounds = array<i64: 2, 16>, scalar_prefetch = 0 : i64, scratch_operands = 21 : i64, tpu.core_type = #tpu.core_type<sc_vector_subcore>, window_params = [{transform_indices = #map}, {transform_indices = #map1}, {transform_indices = #map1}, {transform_indices = #map2}]} {
    %mul3A = arith.constant 16 : i32
    %mul3A_0 = arith.muli %arg0, %mul3A : i32
    %add3A = arith.addi %mul3A_0, %arg1 : i32
    %mul3A_1 = arith.constant 10240 : i32
    %mul3A_2 = arith.muli %add3A, %mul3A_1 : i32
    %scan3A = arith.constant 0 : i32
    %scan3A_3 = arith.constant 0 : i32
    %scan3A_4 = arith.constant 128 : i32
    %scan3A_5 = arith.addi %scan3A_3, %scan3A_4 : i32
    %scan3A_6 = arith.constant 1 : i32
    %scan3A_7 = scf.for %scan3A_56 = %scan3A_3 to %scan3A_5 step %scan3A_6 iter_args(%scan3A_57 = %scan3A) -> (i32)  : i32 {
      %broadcast_in_dim3A = arith.constant 0.000000e+00 : f32
      %broadcast_in_dim3A_58 = vector.broadcast %broadcast_in_dim3A : f32 to vector<16xf32>
      %swap3A = arith.index_cast %scan3A_56 : i32 to index
      %swap3A_59 = arith.constant 0 : index
      %swap3A_60 = tpu.vector_load %arg14[%swap3A, %swap3A_59] {strides = array<i32>} : memref<128x128xf32, #tpu.memory_space<vmem>>, vector<1x16xf32>,
      %swap3A_61 = vector.shape_cast %swap3A_60 : vector<1x16xf32> to vector<16xf32>
      %swap3A_62 = vector.shape_cast %broadcast_in_dim3A_58 : vector<16xf32> to vector<1x16xf32>
      tpu.vector_store %arg14[%swap3A, %swap3A_59], %swap3A_62 {strides = array<i32>} : memref<128x128xf32, #tpu.memory_space<vmem>>, vector<1x16xf32>,
      %broadcast_in_dim3A_63 = arith.constant 0.000000e+00 : f32
      %broadcast_in_dim3A_64 = vector.broadcast %broadcast_in_dim3A_63 : f32 to vector<16xf32>
      %swap3A_65 = arith.index_cast %scan3A_56 : i32 to index
      %swap3A_66 = arith.constant 16 : index
      %swap3A_67 = tpu.vector_load %arg14[%swap3A_65, %swap3A_66] {strides = array<i32>} : memref<128x128xf32, #tpu.memory_space<vmem>>, vector<1x16xf32>,
      %swap3A_68 = vector.shape_cast %swap3A_67 : vector<1x16xf32> to vector<16xf32>
      %swap3A_69 = vector.shape_cast %broadcast_in_dim3A_64 : vector<16xf32> to vector<1x16xf32>
      tpu.vector_store %arg14[%swap3A_65, %swap3A_66], %swap3A_69 {strides = array<i32>} : memref<128x128xf32, #tpu.memory_space<vmem>>, vector<1x16xf32>,
      %broadcast_in_dim3A_70 = arith.constant 0.000000e+00 : f32
      %broadcast_in_dim3A_71 = vector.broadcast %broadcast_in_dim3A_70 : f32 to vector<16xf32>
      %swap3A_72 = arith.index_cast %scan3A_56 : i32 to index
      %swap3A_73 = arith.constant 32 : index
      %swap3A_74 = tpu.vector_load %arg14[%swap3A_72, %swap3A_73] {strides = array<i32>} : memref<128x128xf32, #tpu.memory_space<vmem>>, vector<1x16xf32>,
      %swap3A_75 = vector.shape_cast %swap3A_74 : vector<1x16xf32> to vector<16xf32>
      %swap3A_76 = vector.shape_cast %broadcast_in_dim3A_71 : vector<16xf32> to vector<1x16xf32>
      tpu.vector_store %arg14[%swap3A_72, %swap3A_73], %swap3A_76 {strides = array<i32>} : memref<128x128xf32, #tpu.memory_space<vmem>>, vector<1x16xf32>,
      %broadcast_in_dim3A_77 = arith.constant 0.000000e+00 : f32
      %broadcast_in_dim3A_78 = vector.broadcast %broadcast_in_dim3A_77 : f32 to vector<16xf32>
      %swap3A_79 = arith.index_cast %scan3A_56 : i32 to index
      %swap3A_80 = arith.constant 48 : index
      %swap3A_81 = tpu.vector_load %arg14[%swap3A_79, %swap3A_80] {strides = array<i32>} : memref<128x128xf32, #tpu.memory_space<vmem>>, vector<1x16xf32>,
      %swap3A_82 = vector.shape_cast %swap3A_81 : vector<1x16xf32> to vector<16xf32>
      %swap3A_83 = vector.shape_cast %broadcast_in_dim3A_78 : vector<16xf32> to vector<1x16xf32>
      tpu.vector_store %arg14[%swap3A_79, %swap3A_80], %swap3A_83 {strides = array<i32>} : memref<128x128xf32, #tpu.memory_space<vmem>>, vector<1x16xf32>,
      %broadcast_in_dim3A_84 = arith.constant 0.000000e+00 : f32
      %broadcast_in_dim3A_85 = vector.broadcast %broadcast_in_dim3A_84 : f32 to vector<16xf32>
      %swap3A_86 = arith.index_cast %scan3A_56 : i32 to index
      %swap3A_87 = arith.constant 64 : index
      %swap3A_88 = tpu.vector_load %arg14[%swap3A_86, %swap3A_87] {strides = array<i32>} : memref<128x128xf32, #tpu.memory_space<vmem>>, vector<1x16xf32>,
      %swap3A_89 = vector.shape_cast %swap3A_88 : vector<1x16xf32> to vector<16xf32>
      %swap3A_90 = vector.shape_cast %broadcast_in_dim3A_85 : vector<16xf32> to vector<1x16xf32>
      tpu.vector_store %arg14[%swap3A_86, %swap3A_87], %swap3A_90 {strides = array<i32>} : memref<128x128xf32, #tpu.memory_space<vmem>>, vector<1x16xf32>,
      %broadcast_in_dim3A_91 = arith.constant 0.000000e+00 : f32
      %broadcast_in_dim3A_92 = vector.broadcast %broadcast_in_dim3A_91 : f32 to vector<16xf32>
      %swap3A_93 = arith.index_cast %scan3A_56 : i32 to index
      %swap3A_94 = arith.constant 80 : index
      %swap3A_95 = tpu.vector_load %arg14[%swap3A_93, %swap3A_94] {strides = array<i32>} : memref<128x128xf32, #tpu.memory_space<vmem>>, vector<1x16xf32>,
      %swap3A_96 = vector.shape_cast %swap3A_95 : vector<1x16xf32> to vector<16xf32>
      %swap3A_97 = vector.shape_cast %broadcast_in_dim3A_92 : vector<16xf32> to vector<1x16xf32>
      tpu.vector_store %arg14[%swap3A_93, %swap3A_94], %swap3A_97 {strides = array<i32>} : memref<128x128xf32, #tpu.memory_space<vmem>>, vector<1x16xf32>,
      %broadcast_in_dim3A_98 = arith.constant 0.000000e+00 : f32
      %broadcast_in_dim3A_99 = vector.broadcast %broadcast_in_dim3A_98 : f32 to vector<16xf32>
      %swap3A_100 = arith.index_cast %scan3A_56 : i32 to index
      %swap3A_101 = arith.constant 96 : index
      %swap3A_102 = tpu.vector_load %arg14[%swap3A_100, %swap3A_101] {strides = array<i32>} : memref<128x128xf32, #tpu.memory_space<vmem>>, vector<1x16xf32>,
      %swap3A_103 = vector.shape_cast %swap3A_102 : vector<1x16xf32> to vector<16xf32>
      %swap3A_104 = vector.shape_cast %broadcast_in_dim3A_99 : vector<16xf32> to vector<1x16xf32>
      tpu.vector_store %arg14[%swap3A_100, %swap3A_101], %swap3A_104 {strides = array<i32>} : memref<128x128xf32, #tpu.memory_space<vmem>>, vector<1x16xf32>,
      %broadcast_in_dim3A_105 = arith.constant 0.000000e+00 : f32
      %broadcast_in_dim3A_106 = vector.broadcast %broadcast_in_dim3A_105 : f32 to vector<16xf32>
      %swap3A_107 = arith.index_cast %scan3A_56 : i32 to index
      %swap3A_108 = arith.constant 112 : index
      %swap3A_109 = tpu.vector_load %arg14[%swap3A_107, %swap3A_108] {strides = array<i32>} : memref<128x128xf32, #tpu.memory_space<vmem>>, vector<1x16xf32>,
      %swap3A_110 = vector.shape_cast %swap3A_109 : vector<1x16xf32> to vector<16xf32>
      %swap3A_111 = vector.shape_cast %broadcast_in_dim3A_106 : vector<16xf32> to vector<1x16xf32>
      tpu.vector_store %arg14[%swap3A_107, %swap3A_108], %swap3A_111 {strides = array<i32>} : memref<128x128xf32, #tpu.memory_space<vmem>>, vector<1x16xf32>,
      %scan3A_112 = arith.constant 0 : i32
      scf.yield %scan3A_112 : i32
    }
    %scan3A_8 = arith.constant 128 : i32
    %mul3A_9 = arith.constant 640 : i32
    %mul3A_10 = arith.muli %arg1, %mul3A_9 : i32
    %add3A_11 = arith.constant 0 : i32
    %add3A_12 = arith.addi %mul3A_10, %add3A_11 : i32
    "tpu.region"() ({
      %run_scoped3A = tpu.sem_alloc : memref<!tpu.dma_semaphore, #tpu.memory_space<semaphore_mem>>
      %dma_start3A_56 = arith.constant 0 : i32
      %dma_start3A_57 = tpu.memref_slice %arg16[%add3A_12, %dma_start3A_56] : memref<10240x128xf32, #tpu.memory_space<vmem_shared>> -> memref<128x128xf32, #tpu.memory_space<vmem_shared>>
      %dma_start3A_58 = arith.constant 0 : i32
      %dma_start3A_59 = tpu.memref_slice %arg16[%add3A_12, %dma_start3A_58] : memref<10240x128xf32, #tpu.memory_space<vmem_shared>> -> memref<128x128xf32, #tpu.memory_space<vmem_shared>>
      tpu.enqueue_dma source(%arg14 : memref<128x128xf32, #tpu.memory_space<vmem>>) target(%dma_start3A_59 : memref<128x128xf32, #tpu.memory_space<vmem_shared>>) target_semaphore(%run_scoped3A : memref<!tpu.dma_semaphore, #tpu.memory_space<semaphore_mem>>)
      %dma_wait3A_60 = arith.constant 0 : i32
      %dma_wait3A_61 = tpu.memref_slice %arg16[%add3A_12, %dma_wait3A_60] : memref<10240x128xf32, #tpu.memory_space<vmem_shared>> -> memref<128x128xf32, #tpu.memory_space<vmem_shared>>
      %dma_wait3A_62 = arith.constant 0 : i32
      %dma_wait3A_63 = tpu.memref_slice %arg16[%add3A_12, %dma_wait3A_62] : memref<10240x128xf32, #tpu.memory_space<vmem_shared>> -> memref<128x128xf32, #tpu.memory_space<vmem_shared>>
      tpu.wait_dma2 semaphore(%run_scoped3A : memref<!tpu.dma_semaphore, #tpu.memory_space<semaphore_mem>>) src(%arg14 : memref<128x128xf32, #tpu.memory_space<vmem>>) dst(%dma_wait3A_63 : memref<128x128xf32, #tpu.memory_space<vmem_shared>>)
      tpu.yield
    }) : () -> ()
    %add3A_13 = arith.constant 128 : i32
    %add3A_14 = arith.addi %mul3A_10, %add3A_13 : i32
    "tpu.region"() ({
      %run_scoped3A = tpu.sem_alloc : memref<!tpu.dma_semaphore, #tpu.memory_space<semaphore_mem>>
      %dma_start3A_56 = arith.constant 0 : i32
      %dma_start3A_57 = tpu.memref_slice %arg16[%add3A_14, %dma_start3A_56] : memref<10240x128xf32, #tpu.memory_space<vmem_shared>> -> memref<128x128xf32, #tpu.memory_space<vmem_shared>>
      %dma_start3A_58 = arith.constant 0 : i32
      %dma_start3A_59 = tpu.memref_slice %arg16[%add3A_14, %dma_start3A_58] : memref<10240x128xf32, #tpu.memory_space<vmem_shared>> -> memref<128x128xf32, #tpu.memory_space<vmem_shared>>
      tpu.enqueue_dma source(%arg14 : memref<128x128xf32, #tpu.memory_space<vmem>>) target(%dma_start3A_59 : memref<128x128xf32, #tpu.memory_space<vmem_shared>>) target_semaphore(%run_scoped3A : memref<!tpu.dma_semaphore, #tpu.memory_space<semaphore_mem>>)
      %dma_wait3A_60 = arith.constant 0 : i32
      %dma_wait3A_61 = tpu.memref_slice %arg16[%add3A_14, %dma_wait3A_60] : memref<10240x128xf32, #tpu.memory_space<vmem_shared>> -> memref<128x128xf32, #tpu.memory_space<vmem_shared>>
      %dma_wait3A_62 = arith.constant 0 : i32
      %dma_wait3A_63 = tpu.memref_slice %arg16[%add3A_14, %dma_wait3A_62] : memref<10240x128xf32, #tpu.memory_space<vmem_shared>> -> memref<128x128xf32, #tpu.memory_space<vmem_shared>>
      tpu.wait_dma2 semaphore(%run_scoped3A : memref<!tpu.dma_semaphore, #tpu.memory_space<semaphore_mem>>) src(%arg14 : memref<128x128xf32, #tpu.memory_space<vmem>>) dst(%dma_wait3A_63 : memref<128x128xf32, #tpu.memory_space<vmem_shared>>)
      tpu.yield
    }) : () -> ()
    %add3A_15 = arith.constant 256 : i32
    %add3A_16 = arith.addi %mul3A_10, %add3A_15 : i32
    "tpu.region"() ({
      %run_scoped3A = tpu.sem_alloc : memref<!tpu.dma_semaphore, #tpu.memory_space<semaphore_mem>>
      %dma_start3A_56 = arith.constant 0 : i32
      %dma_start3A_57 = tpu.memref_slice %arg16[%add3A_16, %dma_start3A_56] : memref<10240x128xf32, #tpu.memory_space<vmem_shared>> -> memref<128x128xf32, #tpu.memory_space<vmem_shared>>
      %dma_start3A_58 = arith.constant 0 : i32
      %dma_start3A_59 = tpu.memref_slice %arg16[%add3A_16, %dma_start3A_58] : memref<10240x128xf32, #tpu.memory_space<vmem_shared>> -> memref<128x128xf32, #tpu.memory_space<vmem_shared>>
      tpu.enqueue_dma source(%arg14 : memref<128x128xf32, #tpu.memory_space<vmem>>) target(%dma_start3A_59 : memref<128x128xf32, #tpu.memory_space<vmem_shared>>) target_semaphore(%run_scoped3A : memref<!tpu.dma_semaphore, #tpu.memory_space<semaphore_mem>>)
      %dma_wait3A_60 = arith.constant 0 : i32
      %dma_wait3A_61 = tpu.memref_slice %arg16[%add3A_16, %dma_wait3A_60] : memref<10240x128xf32, #tpu.memory_space<vmem_shared>> -> memref<128x128xf32, #tpu.memory_space<vmem_shared>>
      %dma_wait3A_62 = arith.constant 0 : i32
      %dma_wait3A_63 = tpu.memref_slice %arg16[%add3A_16, %dma_wait3A_62] : memref<10240x128xf32, #tpu.memory_space<vmem_shared>> -> memref<128x128xf32, #tpu.memory_space<vmem_shared>>
      tpu.wait_dma2 semaphore(%run_scoped3A : memref<!tpu.dma_semaphore, #tpu.memory_space<semaphore_mem>>) src(%arg14 : memref<128x128xf32, #tpu.memory_space<vmem>>) dst(%dma_wait3A_63 : memref<128x128xf32, #tpu.memory_space<vmem_shared>>)
      tpu.yield
    }) : () -> ()
    %add3A_17 = arith.constant 384 : i32
    %add3A_18 = arith.addi %mul3A_10, %add3A_17 : i32
    "tpu.region"() ({
      %run_scoped3A = tpu.sem_alloc : memref<!tpu.dma_semaphore, #tpu.memory_space<semaphore_mem>>
      %dma_start3A_56 = arith.constant 0 : i32
      %dma_start3A_57 = tpu.memref_slice %arg16[%add3A_18, %dma_start3A_56] : memref<10240x128xf32, #tpu.memory_space<vmem_shared>> -> memref<128x128xf32, #tpu.memory_space<vmem_shared>>
      %dma_start3A_58 = arith.constant 0 : i32
      %dma_start3A_59 = tpu.memref_slice %arg16[%add3A_18, %dma_start3A_58] : memref<10240x128xf32, #tpu.memory_space<vmem_shared>> -> memref<128x128xf32, #tpu.memory_space<vmem_shared>>
      tpu.enqueue_dma source(%arg14 : memref<128x128xf32, #tpu.memory_space<vmem>>) target(%dma_start3A_59 : memref<128x128xf32, #tpu.memory_space<vmem_shared>>) target_semaphore(%run_scoped3A : memref<!tpu.dma_semaphore, #tpu.memory_space<semaphore_mem>>)
      %dma_wait3A_60 = arith.constant 0 : i32
      %dma_wait3A_61 = tpu.memref_slice %arg16[%add3A_18, %dma_wait3A_60] : memref<10240x128xf32, #tpu.memory_space<vmem_shared>> -> memref<128x128xf32, #tpu.memory_space<vmem_shared>>
      %dma_wait3A_62 = arith.constant 0 : i32
      %dma_wait3A_63 = tpu.memref_slice %arg16[%add3A_18, %dma_wait3A_62] : memref<10240x128xf32, #tpu.memory_space<vmem_shared>> -> memref<128x128xf32, #tpu.memory_space<vmem_shared>>
      tpu.wait_dma2 semaphore(%run_scoped3A : memref<!tpu.dma_semaphore, #tpu.memory_space<semaphore_mem>>) src(%arg14 : memref<128x128xf32, #tpu.memory_space<vmem>>) dst(%dma_wait3A_63 : memref<128x128xf32, #tpu.memory_space<vmem_shared>>)
      tpu.yield
    }) : () -> ()
    %add3A_19 = arith.constant 512 : i32
    %add3A_20 = arith.addi %mul3A_10, %add3A_19 : i32
    "tpu.region"() ({
      %run_scoped3A = tpu.sem_alloc : memref<!tpu.dma_semaphore, #tpu.memory_space<semaphore_mem>>
      %dma_start3A_56 = arith.constant 0 : i32
      %dma_start3A_57 = tpu.memref_slice %arg16[%add3A_20, %dma_start3A_56] : memref<10240x128xf32, #tpu.memory_space<vmem_shared>> -> memref<128x128xf32, #tpu.memory_space<vmem_shared>>
      %dma_start3A_58 = arith.constant 0 : i32
      %dma_start3A_59 = tpu.memref_slice %arg16[%add3A_20, %dma_start3A_58] : memref<10240x128xf32, #tpu.memory_space<vmem_shared>> -> memref<128x128xf32, #tpu.memory_space<vmem_shared>>
      tpu.enqueue_dma source(%arg14 : memref<128x128xf32, #tpu.memory_space<vmem>>) target(%dma_start3A_59 : memref<128x128xf32, #tpu.memory_space<vmem_shared>>) target_semaphore(%run_scoped3A : memref<!tpu.dma_semaphore, #tpu.memory_space<semaphore_mem>>)
      %dma_wait3A_60 = arith.constant 0 : i32
      %dma_wait3A_61 = tpu.memref_slice %arg16[%add3A_20, %dma_wait3A_60] : memref<10240x128xf32, #tpu.memory_space<vmem_shared>> -> memref<128x128xf32, #tpu.memory_space<vmem_shared>>
      %dma_wait3A_62 = arith.constant 0 : i32
      %dma_wait3A_63 = tpu.memref_slice %arg16[%add3A_20, %dma_wait3A_62] : memref<10240x128xf32, #tpu.memory_space<vmem_shared>> -> memref<128x128xf32, #tpu.memory_space<vmem_shared>>
      tpu.wait_dma2 semaphore(%run_scoped3A : memref<!tpu.dma_semaphore, #tpu.memory_space<semaphore_mem>>) src(%arg14 : memref<128x128xf32, #tpu.memory_space<vmem>>) dst(%dma_wait3A_63 : memref<128x128xf32, #tpu.memory_space<vmem_shared>>)
      tpu.yield
    }) : () -> ()
    %barrier3A = arith.constant 0 : index
    tpu.barrier barrier_id(%barrier3A)
    %add3A_21 = arith.constant 0 : i32
    %add3A_22 = arith.addi %mul3A_2, %add3A_21 : i32
    %dma_start3A = tpu.memref_slice %arg3[%add3A_22] : memref<327680xi32, #tpu.memory_space<hbm>> -> memref<128xi32, #tpu.memory_space<hbm>>
    %dma_start3A_23 = tpu.memref_slice %arg3[%add3A_22] : memref<327680xi32, #tpu.memory_space<hbm>> -> memref<128xi32, #tpu.memory_space<hbm>>
    tpu.enqueue_dma source(%dma_start3A_23 : memref<128xi32, #tpu.memory_space<hbm>>) target(%arg6 : memref<128xi32, #tpu.memory_space<vmem>>) target_semaphore(%arg17 : memref<!tpu.dma_semaphore, #tpu.memory_space<semaphore_mem>>)
    %add3A_24 = arith.constant 0 : i32
    %add3A_25 = arith.addi %mul3A_2, %add3A_24 : i32
    %dma_start3A_26 = tpu.memref_slice %arg4[%add3A_25] : memref<327680xi32, #tpu.memory_space<hbm>> -> memref<128xi32, #tpu.memory_space<hbm>>
    %dma_start3A_27 = tpu.memref_slice %arg4[%add3A_25] : memref<327680xi32, #tpu.memory_space<hbm>> -> memref<128xi32, #tpu.memory_space<hbm>>
    tpu.enqueue_dma source(%dma_start3A_27 : memref<128xi32, #tpu.memory_space<hbm>>) target(%arg10 : memref<128xi32, #tpu.memory_space<vmem>>) target_semaphore(%arg21 : memref<!tpu.dma_semaphore, #tpu.memory_space<semaphore_mem>>)
    %add3A_28 = arith.constant 128 : i32
    %add3A_29 = arith.addi %mul3A_2, %add3A_28 : i32
    %dma_start3A_30 = tpu.memref_slice %arg3[%add3A_29] : memref<327680xi32, #tpu.memory_space<hbm>> -> memref<128xi32, #tpu.memory_space<hbm>>
    %dma_start3A_31 = tpu.memref_slice %arg3[%add3A_29] : memref<327680xi32, #tpu.memory_space<hbm>> -> memref<128xi32, #tpu.memory_space<hbm>>
    tpu.enqueue_dma source(%dma_start3A_31 : memref<128xi32, #tpu.memory_space<hbm>>) target(%arg7 : memref<128xi32, #tpu.memory_space<vmem>>) target_semaphore(%arg18 : memref<!tpu.dma_semaphore, #tpu.memory_space<semaphore_mem>>)
    %add3A_32 = arith.constant 128 : i32
    %add3A_33 = arith.addi %mul3A_2, %add3A_32 : i32
    %dma_start3A_34 = tpu.memref_slice %arg4[%add3A_33] : memref<327680xi32, #tpu.memory_space<hbm>> -> memref<128xi32, #tpu.memory_space<hbm>>
    %dma_start3A_35 = tpu.memref_slice %arg4[%add3A_33] : memref<327680xi32, #tpu.memory_space<hbm>> -> memref<128xi32, #tpu.memory_space<hbm>>
    tpu.enqueue_dma source(%dma_start3A_35 : memref<128xi32, #tpu.memory_space<hbm>>) target(%arg11 : memref<128xi32, #tpu.memory_space<vmem>>) target_semaphore(%arg22 : memref<!tpu.dma_semaphore, #tpu.memory_space<semaphore_mem>>)
    %dma_wait3A = arith.constant 0 : i32
    %dma_wait3A_36 = tpu.memref_slice %arg3[%dma_wait3A] : memref<327680xi32, #tpu.memory_space<hbm>> -> memref<128xi32, #tpu.memory_space<hbm>>
    %dma_wait3A_37 = arith.constant 0 : i32
    %dma_wait3A_38 = tpu.memref_slice %arg3[%dma_wait3A_37] : memref<327680xi32, #tpu.memory_space<hbm>> -> memref<128xi32, #tpu.memory_space<hbm>>
    tpu.wait_dma2 semaphore(%arg17 : memref<!tpu.dma_semaphore, #tpu.memory_space<semaphore_mem>>) src(%dma_wait3A_38 : memref<128xi32, #tpu.memory_space<hbm>>) dst(%arg6 : memref<128xi32, #tpu.memory_space<vmem>>)
    %dma_wait3A_39 = arith.constant 0 : i32
    %dma_wait3A_40 = tpu.memref_slice %arg4[%dma_wait3A_39] : memref<327680xi32, #tpu.memory_space<hbm>> -> memref<128xi32, #tpu.memory_space<hbm>>
    %dma_wait3A_41 = arith.constant 0 : i32
    %dma_wait3A_42 = tpu.memref_slice %arg4[%dma_wait3A_41] : memref<327680xi32, #tpu.memory_space<hbm>> -> memref<128xi32, #tpu.memory_space<hbm>>
    tpu.wait_dma2 semaphore(%arg21 : memref<!tpu.dma_semaphore, #tpu.memory_space<semaphore_mem>>) src(%dma_wait3A_42 : memref<128xi32, #tpu.memory_space<hbm>>) dst(%arg10 : memref<128xi32, #tpu.memory_space<vmem>>)
    %dma_start3A_43 = arith.constant 0 : i32
    %dma_start3A_44 = arith.constant 0 : i32
    %dma_start3A_45 = tpu.memref_slice %arg2[%dma_start3A_43, %dma_start3A_44] : memref<10000x128xf32, #tpu.memory_space<hbm>> -> memref<10000x128xf32, #tpu.memory_space<hbm>>
    tpu.enqueue_indirect_dma source(%dma_start3A_45 : memref<10000x128xf32, #tpu.memory_space<hbm>>) target(%arg14 : memref<128x128xf32, #tpu.memory_space<vmem>>) offsets(%arg6 : memref<128xi32, #tpu.memory_space<vmem>>) semaphore(%arg25 : memref<!tpu.dma_semaphore, #tpu.memory_space<semaphore_mem>>)
    %scan3A_46 = arith.constant 0 : i32
    %scan3A_47 = arith.constant 0 : i32
    %scan3A_48 = arith.constant 20 : i32
    %scan3A_49 = arith.addi %scan3A_47, %scan3A_48 : i32
    %scan3A_50 = arith.constant 1 : i32
    %scan3A_51 = scf.for %scan3A_56 = %scan3A_47 to %scan3A_49 step %scan3A_50 iter_args(%scan3A_57 = %scan3A_46) -> (i32)  : i32 {
      %mul3A_58 = arith.constant 4 : i32
      %mul3A_59 = arith.muli %mul3A_58, %scan3A_56 : i32
      %add3A_60 = arith.constant 0 : i32
      %add3A_61 = arith.addi %mul3A_59, %add3A_60 : i32
      %add3A_62 = arith.constant 1 : i32
      %add3A_63 = arith.addi %add3A_61, %add3A_62 : i32
      %lt3A = arith.constant 80 : i32
      %lt3A_64 = arith.cmpi slt, %add3A_63, %lt3A : i32
      %convert_element_type3A = arith.extui %lt3A_64 : i1 to i32
      %cond3A = arith.constant 0 : i32
      %cond3A_65 = arith.cmpi ne, %convert_element_type3A, %cond3A : i32
      scf.if %cond3A_65 {
        %dma_wait3A_140 = arith.constant 0 : i32
        %dma_wait3A_141 = tpu.memref_slice %arg3[%dma_wait3A_140] : memref<327680xi32, #tpu.memory_space<hbm>> -> memref<128xi32, #tpu.memory_space<hbm>>
        %dma_wait3A_142 = arith.constant 0 : i32
        %dma_wait3A_143 = tpu.memref_slice %arg3[%dma_wait3A_142] : memref<327680xi32, #tpu.memory_space<hbm>> -> memref<128xi32, #tpu.memory_space<hbm>>
        tpu.wait_dma2 semaphore(%arg18 : memref<!tpu.dma_semaphore, #tpu.memory_space<semaphore_mem>>) src(%dma_wait3A_143 : memref<128xi32, #tpu.memory_space<hbm>>) dst(%arg7 : memref<128xi32, #tpu.memory_space<vmem>>)
        %dma_wait3A_144 = arith.constant 0 : i32
        %dma_wait3A_145 = tpu.memref_slice %arg4[%dma_wait3A_144] : memref<327680xi32, #tpu.memory_space<hbm>> -> memref<128xi32, #tpu.memory_space<hbm>>
        %dma_wait3A_146 = arith.constant 0 : i32
        %dma_wait3A_147 = tpu.memref_slice %arg4[%dma_wait3A_146] : memref<327680xi32, #tpu.memory_space<hbm>> -> memref<128xi32, #tpu.memory_space<hbm>>
        tpu.wait_dma2 semaphore(%arg22 : memref<!tpu.dma_semaphore, #tpu.memory_space<semaphore_mem>>) src(%dma_wait3A_147 : memref<128xi32, #tpu.memory_space<hbm>>) dst(%arg11 : memref<128xi32, #tpu.memory_space<vmem>>)
        %dma_start3A_148 = arith.constant 0 : i32
        %dma_start3A_149 = arith.constant 0 : i32
        %dma_start3A_150 = tpu.memref_slice %arg2[%dma_start3A_148, %dma_start3A_149] : memref<10000x128xf32, #tpu.memory_space<hbm>> -> memref<10000x128xf32, #tpu.memory_space<hbm>>
        tpu.enqueue_indirect_dma source(%dma_start3A_150 : memref<10000x128xf32, #tpu.memory_space<hbm>>) target(%arg15 : memref<128x128xf32, #tpu.memory_space<vmem>>) offsets(%arg7 : memref<128xi32, #tpu.memory_space<vmem>>) semaphore(%arg26 : memref<!tpu.dma_semaphore, #tpu.memory_space<semaphore_mem>>)
      } else {
      }
      %dma_wait3A_66 = arith.constant 0 : i32
      %dma_wait3A_67 = arith.constant 0 : i32
      %dma_wait3A_68 = tpu.memref_slice %arg2[%dma_wait3A_66, %dma_wait3A_67] : memref<10000x128xf32, #tpu.memory_space<hbm>> -> memref<10000x128xf32, #tpu.memory_space<hbm>>
      tpu.wait_indirect_dma semaphore(%arg25 : memref<!tpu.dma_semaphore, #tpu.memory_space<semaphore_mem>>) src(%dma_wait3A_68 : memref<10000x128xf32, #tpu.memory_space<hbm>>) dst(%arg14 : memref<128x128xf32, #tpu.memory_space<vmem>>)
      "tpu.region"() ({
        %run_scoped3A = tpu.sem_alloc : memref<!tpu.dma_semaphore, #tpu.memory_space<semaphore_mem>>
        %dma_start3A_140 = arith.constant 0 : i32
        %dma_start3A_141 = arith.constant 0 : i32
        %dma_start3A_142 = tpu.memref_slice %arg14[%dma_start3A_140, %dma_start3A_141] : memref<128x128xf32, #tpu.memory_space<vmem>> -> memref<16x128xf32, #tpu.memory_space<vmem>>
        %dma_start3A_143 = arith.constant 0 : i32
        %dma_start3A_144 = tpu.memref_slice %arg10[%dma_start3A_143] : memref<128xi32, #tpu.memory_space<vmem>> -> memref<16xi32, #tpu.memory_space<vmem>>
        %dma_start3A_145 = arith.constant 0 : i32
        %dma_start3A_146 = arith.constant 0 : i32
        %dma_start3A_147 = tpu.memref_slice %arg16[%dma_start3A_145, %dma_start3A_146] : memref<10240x128xf32, #tpu.memory_space<vmem_shared>> -> memref<10240x128xf32, #tpu.memory_space<vmem_shared>>
        tpu.enqueue_indirect_dma source(%dma_start3A_142 : memref<16x128xf32, #tpu.memory_space<vmem>>) target(%dma_start3A_147 : memref<10240x128xf32, #tpu.memory_space<vmem_shared>>) offsets(%dma_start3A_144 : memref<16xi32, #tpu.memory_space<vmem>>) semaphore(%run_scoped3A : memref<!tpu.dma_semaphore, #tpu.memory_space<semaphore_mem>>) {add = true}
        %dma_wait3A_148 = arith.constant 0 : i32
        %dma_wait3A_149 = arith.constant 0 : i32
        %dma_wait3A_150 = tpu.memref_slice %arg14[%dma_wait3A_148, %dma_wait3A_149] : memref<128x128xf32, #tpu.memory_space<vmem>> -> memref<16x128xf32, #tpu.memory_space<vmem>>
        %dma_wait3A_151 = arith.constant 0 : i32
        %dma_wait3A_152 = tpu.memref_slice %arg10[%dma_wait3A_151] : memref<128xi32, #tpu.memory_space<vmem>> -> memref<16xi32, #tpu.memory_space<vmem>>
        %dma_wait3A_153 = arith.constant 0 : i32
        %dma_wait3A_154 = arith.constant 0 : i32
        %dma_wait3A_155 = tpu.memref_slice %arg16[%dma_wait3A_153, %dma_wait3A_154] : memref<10240x128xf32, #tpu.memory_space<vmem_shared>> -> memref<10240x128xf32, #tpu.memory_space<vmem_shared>>
        tpu.wait_indirect_dma semaphore(%run_scoped3A : memref<!tpu.dma_semaphore, #tpu.memory_space<semaphore_mem>>) src(%dma_wait3A_150 : memref<16x128xf32, #tpu.memory_space<vmem>>) dst(%dma_wait3A_155 : memref<10240x128xf32, #tpu.memory_space<vmem_shared>>)
        tpu.yield
      }) : () -> ()
      %add3A_69 = arith.constant 2 : i32
      %add3A_70 = arith.addi %add3A_61, %add3A_69 : i32
      %lt3A_71 = arith.constant 80 : i32
      %lt3A_72 = arith.cmpi slt, %add3A_70, %lt3A_71 : i32
      %convert_element_type3A_73 = arith.extui %lt3A_72 : i1 to i32
      %cond3A_74 = arith.constant 0 : i32
      %cond3A_75 = arith.cmpi ne, %convert_element_type3A_73, %cond3A_74 : i32
      scf.if %cond3A_75 {
        %add3A_140 = arith.constant 2 : i32
        %add3A_141 = arith.addi %add3A_61, %add3A_140 : i32
        %mul3A_142 = arith.constant 128 : i32
        %mul3A_143 = arith.muli %add3A_141, %mul3A_142 : i32
        %add3A_144 = arith.addi %mul3A_2, %mul3A_143 : i32
        %dma_start3A_145 = tpu.memref_slice %arg3[%add3A_144] : memref<327680xi32, #tpu.memory_space<hbm>> -> memref<128xi32, #tpu.memory_space<hbm>>
        %dma_start3A_146 = tpu.memref_slice %arg3[%add3A_144] : memref<327680xi32, #tpu.memory_space<hbm>> -> memref<128xi32, #tpu.memory_space<hbm>>
        tpu.enqueue_dma source(%dma_start3A_146 : memref<128xi32, #tpu.memory_space<hbm>>) target(%arg8 : memref<128xi32, #tpu.memory_space<vmem>>) target_semaphore(%arg19 : memref<!tpu.dma_semaphore, #tpu.memory_space<semaphore_mem>>)
        %mul3A_147 = arith.constant 128 : i32
        %mul3A_148 = arith.muli %add3A_141, %mul3A_147 : i32
        %add3A_149 = arith.addi %mul3A_2, %mul3A_148 : i32
        %dma_start3A_150 = tpu.memref_slice %arg4[%add3A_149] : memref<327680xi32, #tpu.memory_space<hbm>> -> memref<128xi32, #tpu.memory_space<hbm>>
        %dma_start3A_151 = tpu.memref_slice %arg4[%add3A_149] : memref<327680xi32, #tpu.memory_space<hbm>> -> memref<128xi32, #tpu.memory_space<hbm>>
        tpu.enqueue_dma source(%dma_start3A_151 : memref<128xi32, #tpu.memory_space<hbm>>) target(%arg12 : memref<128xi32, #tpu.memory_space<vmem>>) target_semaphore(%arg23 : memref<!tpu.dma_semaphore, #tpu.memory_space<semaphore_mem>>)
      } else {
      }
      %mul3A_76 = arith.constant 4 : i32
      %mul3A_77 = arith.muli %mul3A_76, %scan3A_56 : i32
      %add3A_78 = arith.constant 1 : i32
      %add3A_79 = arith.addi %mul3A_77, %add3A_78 : i32
      %add3A_80 = arith.constant 1 : i32
      %add3A_81 = arith.addi %add3A_79, %add3A_80 : i32
      %lt3A_82 = arith.constant 80 : i32
      %lt3A_83 = arith.cmpi slt, %add3A_81, %lt3A_82 : i32
      %convert_element_type3A_84 = arith.extui %lt3A_83 : i1 to i32
      %cond3A_85 = arith.constant 0 : i32
      %cond3A_86 = arith.cmpi ne, %convert_element_type3A_84, %cond3A_85 : i32
      scf.if %cond3A_86 {
        %dma_wait3A_140 = arith.constant 0 : i32
        %dma_wait3A_141 = tpu.memref_slice %arg3[%dma_wait3A_140] : memref<327680xi32, #tpu.memory_space<hbm>> -> memref<128xi32, #tpu.memory_space<hbm>>
        %dma_wait3A_142 = arith.constant 0 : i32
        %dma_wait3A_143 = tpu.memref_slice %arg3[%dma_wait3A_142] : memref<327680xi32, #tpu.memory_space<hbm>> -> memref<128xi32, #tpu.memory_space<hbm>>
        tpu.wait_dma2 semaphore(%arg19 : memref<!tpu.dma_semaphore, #tpu.memory_space<semaphore_mem>>) src(%dma_wait3A_143 : memref<128xi32, #tpu.memory_space<hbm>>) dst(%arg8 : memref<128xi32, #tpu.memory_space<vmem>>)
        %dma_wait3A_144 = arith.constant 0 : i32
        %dma_wait3A_145 = tpu.memref_slice %arg4[%dma_wait3A_144] : memref<327680xi32, #tpu.memory_space<hbm>> -> memref<128xi32, #tpu.memory_space<hbm>>
        %dma_wait3A_146 = arith.constant 0 : i32
        %dma_wait3A_147 = tpu.memref_slice %arg4[%dma_wait3A_146] : memref<327680xi32, #tpu.memory_space<hbm>> -> memref<128xi32, #tpu.memory_space<hbm>>
        tpu.wait_dma2 semaphore(%arg23 : memref<!tpu.dma_semaphore, #tpu.memory_space<semaphore_mem>>) src(%dma_wait3A_147 : memref<128xi32, #tpu.memory_space<hbm>>) dst(%arg12 : memref<128xi32, #tpu.memory_space<vmem>>)
        %dma_start3A_148 = arith.constant 0 : i32
        %dma_start3A_149 = arith.constant 0 : i32
        %dma_start3A_150 = tpu.memref_slice %arg2[%dma_start3A_148, %dma_start3A_149] : memref<10000x128xf32, #tpu.memory_space<hbm>> -> memref<10000x128xf32, #tpu.memory_space<hbm>>
        tpu.enqueue_indirect_dma source(%dma_start3A_150 : memref<10000x128xf32, #tpu.memory_space<hbm>>) target(%arg14 : memref<128x128xf32, #tpu.memory_space<vmem>>) offsets(%arg8 : memref<128xi32, #tpu.memory_space<vmem>>) semaphore(%arg25 : memref<!tpu.dma_semaphore, #tpu.memory_space<semaphore_mem>>)
      } else {
      }
      %dma_wait3A_87 = arith.constant 0 : i32
      %dma_wait3A_88 = arith.constant 0 : i32
      %dma_wait3A_89 = tpu.memref_slice %arg2[%dma_wait3A_87, %dma_wait3A_88] : memref<10000x128xf32, #tpu.memory_space<hbm>> -> memref<10000x128xf32, #tpu.memory_space<hbm>>
      tpu.wait_indirect_dma semaphore(%arg26 : memref<!tpu.dma_semaphore, #tpu.memory_space<semaphore_mem>>) src(%dma_wait3A_89 : memref<10000x128xf32, #tpu.memory_space<hbm>>) dst(%arg15 : memref<128x128xf32, #tpu.memory_space<vmem>>)
      "tpu.region"() ({
        %run_scoped3A = tpu.sem_alloc : memref<!tpu.dma_semaphore, #tpu.memory_space<semaphore_mem>>
        %dma_start3A_140 = arith.constant 0 : i32
        %dma_start3A_141 = arith.constant 0 : i32
        %dma_start3A_142 = tpu.memref_slice %arg15[%dma_start3A_140, %dma_start3A_141] : memref<128x128xf32, #tpu.memory_space<vmem>> -> memref<16x128xf32, #tpu.memory_space<vmem>>
        %dma_start3A_143 = arith.constant 0 : i32
        %dma_start3A_144 = tpu.memref_slice %arg11[%dma_start3A_143] : memref<128xi32, #tpu.memory_space<vmem>> -> memref<16xi32, #tpu.memory_space<vmem>>
        %dma_start3A_145 = arith.constant 0 : i32
        %dma_start3A_146 = arith.constant 0 : i32
        %dma_start3A_147 = tpu.memref_slice %arg16[%dma_start3A_145, %dma_start3A_146] : memref<10240x128xf32, #tpu.memory_space<vmem_shared>> -> memref<10240x128xf32, #tpu.memory_space<vmem_shared>>
        tpu.enqueue_indirect_dma source(%dma_start3A_142 : memref<16x128xf32, #tpu.memory_space<vmem>>) target(%dma_start3A_147 : memref<10240x128xf32, #tpu.memory_space<vmem_shared>>) offsets(%dma_start3A_144 : memref<16xi32, #tpu.memory_space<vmem>>) semaphore(%run_scoped3A : memref<!tpu.dma_semaphore, #tpu.memory_space<semaphore_mem>>) {add = true}
        %dma_wait3A_148 = arith.constant 0 : i32
        %dma_wait3A_149 = arith.constant 0 : i32
        %dma_wait3A_150 = tpu.memref_slice %arg15[%dma_wait3A_148, %dma_wait3A_149] : memref<128x128xf32, #tpu.memory_space<vmem>> -> memref<16x128xf32, #tpu.memory_space<vmem>>
        %dma_wait3A_151 = arith.constant 0 : i32
        %dma_wait3A_152 = tpu.memref_slice %arg11[%dma_wait3A_151] : memref<128xi32, #tpu.memory_space<vmem>> -> memref<16xi32, #tpu.memory_space<vmem>>
        %dma_wait3A_153 = arith.constant 0 : i32
        %dma_wait3A_154 = arith.constant 0 : i32
        %dma_wait3A_155 = tpu.memref_slice %arg16[%dma_wait3A_153, %dma_wait3A_154] : memref<10240x128xf32, #tpu.memory_space<vmem_shared>> -> memref<10240x128xf32, #tpu.memory_space<vmem_shared>>
        tpu.wait_indirect_dma semaphore(%run_scoped3A : memref<!tpu.dma_semaphore, #tpu.memory_space<semaphore_mem>>) src(%dma_wait3A_150 : memref<16x128xf32, #tpu.memory_space<vmem>>) dst(%dma_wait3A_155 : memref<10240x128xf32, #tpu.memory_space<vmem_shared>>)
        tpu.yield
      }) : () -> ()
      %add3A_90 = arith.constant 2 : i32
      %add3A_91 = arith.addi %add3A_79, %add3A_90 : i32
      %lt3A_92 = arith.constant 80 : i32
      %lt3A_93 = arith.cmpi slt, %add3A_91, %lt3A_92 : i32
      %convert_element_type3A_94 = arith.extui %lt3A_93 : i1 to i32
      %cond3A_95 = arith.constant 0 : i32
      %cond3A_96 = arith.cmpi ne, %convert_element_type3A_94, %cond3A_95 : i32
      scf.if %cond3A_96 {
        %add3A_140 = arith.constant 2 : i32
        %add3A_141 = arith.addi %add3A_79, %add3A_140 : i32
        %mul3A_142 = arith.constant 128 : i32
        %mul3A_143 = arith.muli %add3A_141, %mul3A_142 : i32
        %add3A_144 = arith.addi %mul3A_2, %mul3A_143 : i32
        %dma_start3A_145 = tpu.memref_slice %arg3[%add3A_144] : memref<327680xi32, #tpu.memory_space<hbm>> -> memref<128xi32, #tpu.memory_space<hbm>>
        %dma_start3A_146 = tpu.memref_slice %arg3[%add3A_144] : memref<327680xi32, #tpu.memory_space<hbm>> -> memref<128xi32, #tpu.memory_space<hbm>>
        tpu.enqueue_dma source(%dma_start3A_146 : memref<128xi32, #tpu.memory_space<hbm>>) target(%arg9 : memref<128xi32, #tpu.memory_space<vmem>>) target_semaphore(%arg20 : memref<!tpu.dma_semaphore, #tpu.memory_space<semaphore_mem>>)
        %mul3A_147 = arith.constant 128 : i32
        %mul3A_148 = arith.muli %add3A_141, %mul3A_147 : i32
        %add3A_149 = arith.addi %mul3A_2, %mul3A_148 : i32
        %dma_start3A_150 = tpu.memref_slice %arg4[%add3A_149] : memref<327680xi32, #tpu.memory_space<hbm>> -> memref<128xi32, #tpu.memory_space<hbm>>
        %dma_start3A_151 = tpu.memref_slice %arg4[%add3A_149] : memref<327680xi32, #tpu.memory_space<hbm>> -> memref<128xi32, #tpu.memory_space<hbm>>
        tpu.enqueue_dma source(%dma_start3A_151 : memref<128xi32, #tpu.memory_space<hbm>>) target(%arg13 : memref<128xi32, #tpu.memory_space<vmem>>) target_semaphore(%arg24 : memref<!tpu.dma_semaphore, #tpu.memory_space<semaphore_mem>>)
      } else {
      }
      %mul3A_97 = arith.constant 4 : i32
      %mul3A_98 = arith.muli %mul3A_97, %scan3A_56 : i32
      %add3A_99 = arith.constant 2 : i32
      %add3A_100 = arith.addi %mul3A_98, %add3A_99 : i32
      %add3A_101 = arith.constant 1 : i32
      %add3A_102 = arith.addi %add3A_100, %add3A_101 : i32
      %lt3A_103 = arith.constant 80 : i32
      %lt3A_104 = arith.cmpi slt, %add3A_102, %lt3A_103 : i32
      %convert_element_type3A_105 = arith.extui %lt3A_104 : i1 to i32
      %cond3A_106 = arith.constant 0 : i32
      %cond3A_107 = arith.cmpi ne, %convert_element_type3A_105, %cond3A_106 : i32
      scf.if %cond3A_107 {
        %dma_wait3A_140 = arith.constant 0 : i32
        %dma_wait3A_141 = tpu.memref_slice %arg3[%dma_wait3A_140] : memref<327680xi32, #tpu.memory_space<hbm>> -> memref<128xi32, #tpu.memory_space<hbm>>
        %dma_wait3A_142 = arith.constant 0 : i32
        %dma_wait3A_143 = tpu.memref_slice %arg3[%dma_wait3A_142] : memref<327680xi32, #tpu.memory_space<hbm>> -> memref<128xi32, #tpu.memory_space<hbm>>
        tpu.wait_dma2 semaphore(%arg20 : memref<!tpu.dma_semaphore, #tpu.memory_space<semaphore_mem>>) src(%dma_wait3A_143 : memref<128xi32, #tpu.memory_space<hbm>>) dst(%arg9 : memref<128xi32, #tpu.memory_space<vmem>>)
        %dma_wait3A_144 = arith.constant 0 : i32
        %dma_wait3A_145 = tpu.memref_slice %arg4[%dma_wait3A_144] : memref<327680xi32, #tpu.memory_space<hbm>> -> memref<128xi32, #tpu.memory_space<hbm>>
        %dma_wait3A_146 = arith.constant 0 : i32
        %dma_wait3A_147 = tpu.memref_slice %arg4[%dma_wait3A_146] : memref<327680xi32, #tpu.memory_space<hbm>> -> memref<128xi32, #tpu.memory_space<hbm>>
        tpu.wait_dma2 semaphore(%arg24 : memref<!tpu.dma_semaphore, #tpu.memory_space<semaphore_mem>>) src(%dma_wait3A_147 : memref<128xi32, #tpu.memory_space<hbm>>) dst(%arg13 : memref<128xi32, #tpu.memory_space<vmem>>)
        %dma_start3A_148 = arith.constant 0 : i32
        %dma_start3A_149 = arith.constant 0 : i32
        %dma_start3A_150 = tpu.memref_slice %arg2[%dma_start3A_148, %dma_start3A_149] : memref<10000x128xf32, #tpu.memory_space<hbm>> -> memref<10000x128xf32, #tpu.memory_space<hbm>>
        tpu.enqueue_indirect_dma source(%dma_start3A_150 : memref<10000x128xf32, #tpu.memory_space<hbm>>) target(%arg15 : memref<128x128xf32, #tpu.memory_space<vmem>>) offsets(%arg9 : memref<128xi32, #tpu.memory_space<vmem>>) semaphore(%arg26 : memref<!tpu.dma_semaphore, #tpu.memory_space<semaphore_mem>>)
      } else {
      }
      %dma_wait3A_108 = arith.constant 0 : i32
      %dma_wait3A_109 = arith.constant 0 : i32
      %dma_wait3A_110 = tpu.memref_slice %arg2[%dma_wait3A_108, %dma_wait3A_109] : memref<10000x128xf32, #tpu.memory_space<hbm>> -> memref<10000x128xf32, #tpu.memory_space<hbm>>
      tpu.wait_indirect_dma semaphore(%arg25 : memref<!tpu.dma_semaphore, #tpu.memory_space<semaphore_mem>>) src(%dma_wait3A_110 : memref<10000x128xf32, #tpu.memory_space<hbm>>) dst(%arg14 : memref<128x128xf32, #tpu.memory_space<vmem>>)
      "tpu.region"() ({
        %run_scoped3A = tpu.sem_alloc : memref<!tpu.dma_semaphore, #tpu.memory_space<semaphore_mem>>
        %dma_start3A_140 = arith.constant 0 : i32
        %dma_start3A_141 = arith.constant 0 : i32
        %dma_start3A_142 = tpu.memref_slice %arg14[%dma_start3A_140, %dma_start3A_141] : memref<128x128xf32, #tpu.memory_space<vmem>> -> memref<16x128xf32, #tpu.memory_space<vmem>>
        %dma_start3A_143 = arith.constant 0 : i32
        %dma_start3A_144 = tpu.memref_slice %arg12[%dma_start3A_143] : memref<128xi32, #tpu.memory_space<vmem>> -> memref<16xi32, #tpu.memory_space<vmem>>
        %dma_start3A_145 = arith.constant 0 : i32
        %dma_start3A_146 = arith.constant 0 : i32
        %dma_start3A_147 = tpu.memref_slice %arg16[%dma_start3A_145, %dma_start3A_146] : memref<10240x128xf32, #tpu.memory_space<vmem_shared>> -> memref<10240x128xf32, #tpu.memory_space<vmem_shared>>
        tpu.enqueue_indirect_dma source(%dma_start3A_142 : memref<16x128xf32, #tpu.memory_space<vmem>>) target(%dma_start3A_147 : memref<10240x128xf32, #tpu.memory_space<vmem_shared>>) offsets(%dma_start3A_144 : memref<16xi32, #tpu.memory_space<vmem>>) semaphore(%run_scoped3A : memref<!tpu.dma_semaphore, #tpu.memory_space<semaphore_mem>>) {add = true}
        %dma_wait3A_148 = arith.constant 0 : i32
        %dma_wait3A_149 = arith.constant 0 : i32
        %dma_wait3A_150 = tpu.memref_slice %arg14[%dma_wait3A_148, %dma_wait3A_149] : memref<128x128xf32, #tpu.memory_space<vmem>> -> memref<16x128xf32, #tpu.memory_space<vmem>>
        %dma_wait3A_151 = arith.constant 0 : i32
        %dma_wait3A_152 = tpu.memref_slice %arg12[%dma_wait3A_151] : memref<128xi32, #tpu.memory_space<vmem>> -> memref<16xi32, #tpu.memory_space<vmem>>
        %dma_wait3A_153 = arith.constant 0 : i32
        %dma_wait3A_154 = arith.constant 0 : i32
        %dma_wait3A_155 = tpu.memref_slice %arg16[%dma_wait3A_153, %dma_wait3A_154] : memref<10240x128xf32, #tpu.memory_space<vmem_shared>> -> memref<10240x128xf32, #tpu.memory_space<vmem_shared>>
        tpu.wait_indirect_dma semaphore(%run_scoped3A : memref<!tpu.dma_semaphore, #tpu.memory_space<semaphore_mem>>) src(%dma_wait3A_150 : memref<16x128xf32, #tpu.memory_space<vmem>>) dst(%dma_wait3A_155 : memref<10240x128xf32, #tpu.memory_space<vmem_shared>>)
        tpu.yield
      }) : () -> ()
      %add3A_111 = arith.constant 2 : i32
      %add3A_112 = arith.addi %add3A_100, %add3A_111 : i32
      %lt3A_113 = arith.constant 80 : i32
      %lt3A_114 = arith.cmpi slt, %add3A_112, %lt3A_113 : i32
      %convert_element_type3A_115 = arith.extui %lt3A_114 : i1 to i32
      %cond3A_116 = arith.constant 0 : i32
      %cond3A_117 = arith.cmpi ne, %convert_element_type3A_115, %cond3A_116 : i32
      scf.if %cond3A_117 {
        %add3A_140 = arith.constant 2 : i32
        %add3A_141 = arith.addi %add3A_100, %add3A_140 : i32
        %mul3A_142 = arith.constant 128 : i32
        %mul3A_143 = arith.muli %add3A_141, %mul3A_142 : i32
        %add3A_144 = arith.addi %mul3A_2, %mul3A_143 : i32
        %dma_start3A_145 = tpu.memref_slice %arg3[%add3A_144] : memref<327680xi32, #tpu.memory_space<hbm>> -> memref<128xi32, #tpu.memory_space<hbm>>
        %dma_start3A_146 = tpu.memref_slice %arg3[%add3A_144] : memref<327680xi32, #tpu.memory_space<hbm>> -> memref<128xi32, #tpu.memory_space<hbm>>
        tpu.enqueue_dma source(%dma_start3A_146 : memref<128xi32, #tpu.memory_space<hbm>>) target(%arg6 : memref<128xi32, #tpu.memory_space<vmem>>) target_semaphore(%arg17 : memref<!tpu.dma_semaphore, #tpu.memory_space<semaphore_mem>>)
        %mul3A_147 = arith.constant 128 : i32
        %mul3A_148 = arith.muli %add3A_141, %mul3A_147 : i32
        %add3A_149 = arith.addi %mul3A_2, %mul3A_148 : i32
        %dma_start3A_150 = tpu.memref_slice %arg4[%add3A_149] : memref<327680xi32, #tpu.memory_space<hbm>> -> memref<128xi32, #tpu.memory_space<hbm>>
        %dma_start3A_151 = tpu.memref_slice %arg4[%add3A_149] : memref<327680xi32, #tpu.memory_space<hbm>> -> memref<128xi32, #tpu.memory_space<hbm>>
        tpu.enqueue_dma source(%dma_start3A_151 : memref<128xi32, #tpu.memory_space<hbm>>) target(%arg10 : memref<128xi32, #tpu.memory_space<vmem>>) target_semaphore(%arg21 : memref<!tpu.dma_semaphore, #tpu.memory_space<semaphore_mem>>)
      } else {
      }
      %mul3A_118 = arith.constant 4 : i32
      %mul3A_119 = arith.muli %mul3A_118, %scan3A_56 : i32
      %add3A_120 = arith.constant 3 : i32
      %add3A_121 = arith.addi %mul3A_119, %add3A_120 : i32
      %add3A_122 = arith.constant 1 : i32
      %add3A_123 = arith.addi %add3A_121, %add3A_122 : i32
      %lt3A_124 = arith.constant 80 : i32
      %lt3A_125 = arith.cmpi slt, %add3A_123, %lt3A_124 : i32
      %convert_element_type3A_126 = arith.extui %lt3A_125 : i1 to i32
      %cond3A_127 = arith.constant 0 : i32
      %cond3A_128 = arith.cmpi ne, %convert_element_type3A_126, %cond3A_127 : i32
      scf.if %cond3A_128 {
        %dma_wait3A_140 = arith.constant 0 : i32
        %dma_wait3A_141 = tpu.memref_slice %arg3[%dma_wait3A_140] : memref<327680xi32, #tpu.memory_space<hbm>> -> memref<128xi32, #tpu.memory_space<hbm>>
        %dma_wait3A_142 = arith.constant 0 : i32
        %dma_wait3A_143 = tpu.memref_slice %arg3[%dma_wait3A_142] : memref<327680xi32, #tpu.memory_space<hbm>> -> memref<128xi32, #tpu.memory_space<hbm>>
        tpu.wait_dma2 semaphore(%arg17 : memref<!tpu.dma_semaphore, #tpu.memory_space<semaphore_mem>>) src(%dma_wait3A_143 : memref<128xi32, #tpu.memory_space<hbm>>) dst(%arg6 : memref<128xi32, #tpu.memory_space<vmem>>)
        %dma_wait3A_144 = arith.constant 0 : i32
        %dma_wait3A_145 = tpu.memref_slice %arg4[%dma_wait3A_144] : memref<327680xi32, #tpu.memory_space<hbm>> -> memref<128xi32, #tpu.memory_space<hbm>>
        %dma_wait3A_146 = arith.constant 0 : i32
        %dma_wait3A_147 = tpu.memref_slice %arg4[%dma_wait3A_146] : memref<327680xi32, #tpu.memory_space<hbm>> -> memref<128xi32, #tpu.memory_space<hbm>>
        tpu.wait_dma2 semaphore(%arg21 : memref<!tpu.dma_semaphore, #tpu.memory_space<semaphore_mem>>) src(%dma_wait3A_147 : memref<128xi32, #tpu.memory_space<hbm>>) dst(%arg10 : memref<128xi32, #tpu.memory_space<vmem>>)
        %dma_start3A_148 = arith.constant 0 : i32
        %dma_start3A_149 = arith.constant 0 : i32
        %dma_start3A_150 = tpu.memref_slice %arg2[%dma_start3A_148, %dma_start3A_149] : memref<10000x128xf32, #tpu.memory_space<hbm>> -> memref<10000x128xf32, #tpu.memory_space<hbm>>
        tpu.enqueue_indirect_dma source(%dma_start3A_150 : memref<10000x128xf32, #tpu.memory_space<hbm>>) target(%arg14 : memref<128x128xf32, #tpu.memory_space<vmem>>) offsets(%arg6 : memref<128xi32, #tpu.memory_space<vmem>>) semaphore(%arg25 : memref<!tpu.dma_semaphore, #tpu.memory_space<semaphore_mem>>)
      } else {
      }
      %dma_wait3A_129 = arith.constant 0 : i32
      %dma_wait3A_130 = arith.constant 0 : i32
      %dma_wait3A_131 = tpu.memref_slice %arg2[%dma_wait3A_129, %dma_wait3A_130] : memref<10000x128xf32, #tpu.memory_space<hbm>> -> memref<10000x128xf32, #tpu.memory_space<hbm>>
      tpu.wait_indirect_dma semaphore(%arg26 : memref<!tpu.dma_semaphore, #tpu.memory_space<semaphore_mem>>) src(%dma_wait3A_131 : memref<10000x128xf32, #tpu.memory_space<hbm>>) dst(%arg15 : memref<128x128xf32, #tpu.memory_space<vmem>>)
      "tpu.region"() ({
        %run_scoped3A = tpu.sem_alloc : memref<!tpu.dma_semaphore, #tpu.memory_space<semaphore_mem>>
        %dma_start3A_140 = arith.constant 0 : i32
        %dma_start3A_141 = arith.constant 0 : i32
        %dma_start3A_142 = tpu.memref_slice %arg15[%dma_start3A_140, %dma_start3A_141] : memref<128x128xf32, #tpu.memory_space<vmem>> -> memref<16x128xf32, #tpu.memory_space<vmem>>
        %dma_start3A_143 = arith.constant 0 : i32
        %dma_start3A_144 = tpu.memref_slice %arg13[%dma_start3A_143] : memref<128xi32, #tpu.memory_space<vmem>> -> memref<16xi32, #tpu.memory_space<vmem>>
        %dma_start3A_145 = arith.constant 0 : i32
        %dma_start3A_146 = arith.constant 0 : i32
        %dma_start3A_147 = tpu.memref_slice %arg16[%dma_start3A_145, %dma_start3A_146] : memref<10240x128xf32, #tpu.memory_space<vmem_shared>> -> memref<10240x128xf32, #tpu.memory_space<vmem_shared>>
        tpu.enqueue_indirect_dma source(%dma_start3A_142 : memref<16x128xf32, #tpu.memory_space<vmem>>) target(%dma_start3A_147 : memref<10240x128xf32, #tpu.memory_space<vmem_shared>>) offsets(%dma_start3A_144 : memref<16xi32, #tpu.memory_space<vmem>>) semaphore(%run_scoped3A : memref<!tpu.dma_semaphore, #tpu.memory_space<semaphore_mem>>) {add = true}
        %dma_wait3A_148 = arith.constant 0 : i32
        %dma_wait3A_149 = arith.constant 0 : i32
        %dma_wait3A_150 = tpu.memref_slice %arg15[%dma_wait3A_148, %dma_wait3A_149] : memref<128x128xf32, #tpu.memory_space<vmem>> -> memref<16x128xf32, #tpu.memory_space<vmem>>
        %dma_wait3A_151 = arith.constant 0 : i32
        %dma_wait3A_152 = tpu.memref_slice %arg13[%dma_wait3A_151] : memref<128xi32, #tpu.memory_space<vmem>> -> memref<16xi32, #tpu.memory_space<vmem>>
        %dma_wait3A_153 = arith.constant 0 : i32
        %dma_wait3A_154 = arith.constant 0 : i32
        %dma_wait3A_155 = tpu.memref_slice %arg16[%dma_wait3A_153, %dma_wait3A_154] : memref<10240x128xf32, #tpu.memory_space<vmem_shared>> -> memref<10240x128xf32, #tpu.memory_space<vmem_shared>>
        tpu.wait_indirect_dma semaphore(%run_scoped3A : memref<!tpu.dma_semaphore, #tpu.memory_space<semaphore_mem>>) src(%dma_wait3A_150 : memref<16x128xf32, #tpu.memory_space<vmem>>) dst(%dma_wait3A_155 : memref<10240x128xf32, #tpu.memory_space<vmem_shared>>)
        tpu.yield
      }) : () -> ()
      %add3A_132 = arith.constant 2 : i32
      %add3A_133 = arith.addi %add3A_121, %add3A_132 : i32
      %lt3A_134 = arith.constant 80 : i32
      %lt3A_135 = arith.cmpi slt, %add3A_133, %lt3A_134 : i32
      %convert_element_type3A_136 = arith.extui %lt3A_135 : i1 to i32
      %cond3A_137 = arith.constant 0 : i32
      %cond3A_138 = arith.cmpi ne, %convert_element_type3A_136, %cond3A_137 : i32
      scf.if %cond3A_138 {
        %add3A_140 = arith.constant 2 : i32
        %add3A_141 = arith.addi %add3A_121, %add3A_140 : i32
        %mul3A_142 = arith.constant 128 : i32
        %mul3A_143 = arith.muli %add3A_141, %mul3A_142 : i32
        %add3A_144 = arith.addi %mul3A_2, %mul3A_143 : i32
        %dma_start3A_145 = tpu.memref_slice %arg3[%add3A_144] : memref<327680xi32, #tpu.memory_space<hbm>> -> memref<128xi32, #tpu.memory_space<hbm>>
        %dma_start3A_146 = tpu.memref_slice %arg3[%add3A_144] : memref<327680xi32, #tpu.memory_space<hbm>> -> memref<128xi32, #tpu.memory_space<hbm>>
        tpu.enqueue_dma source(%dma_start3A_146 : memref<128xi32, #tpu.memory_space<hbm>>) target(%arg7 : memref<128xi32, #tpu.memory_space<vmem>>) target_semaphore(%arg18 : memref<!tpu.dma_semaphore, #tpu.memory_space<semaphore_mem>>)
        %mul3A_147 = arith.constant 128 : i32
        %mul3A_148 = arith.muli %add3A_141, %mul3A_147 : i32
        %add3A_149 = arith.addi %mul3A_2, %mul3A_148 : i32
        %dma_start3A_150 = tpu.memref_slice %arg4[%add3A_149] : memref<327680xi32, #tpu.memory_space<hbm>> -> memref<128xi32, #tpu.memory_space<hbm>>
        %dma_start3A_151 = tpu.memref_slice %arg4[%add3A_149] : memref<327680xi32, #tpu.memory_space<hbm>> -> memref<128xi32, #tpu.memory_space<hbm>>
        tpu.enqueue_dma source(%dma_start3A_151 : memref<128xi32, #tpu.memory_space<hbm>>) target(%arg11 : memref<128xi32, #tpu.memory_space<vmem>>) target_semaphore(%arg22 : memref<!tpu.dma_semaphore, #tpu.memory_space<semaphore_mem>>)
      } else {
      }
      %scan3A_139 = arith.constant 0 : i32
      scf.yield %scan3A_139 : i32
    }
    %scan3A_52 = arith.constant 20 : i32
    %barrier3A_53 = arith.constant 0 : index
    tpu.barrier barrier_id(%barrier3A_53)
    %mul3A_54 = arith.constant 640 : i32
    %mul3A_55 = arith.muli %arg1, %mul3A_54 : i32
    "tpu.region"() ({
      %run_scoped3A = tpu.sem_alloc : memref<!tpu.dma_semaphore, #tpu.memory_space<semaphore_mem>>
      %dma_start3A_56 = arith.constant 0 : i32
      %dma_start3A_57 = tpu.memref_slice %arg5[%arg0, %mul3A_55, %dma_start3A_56] : memref<2x10240x128xf32, #tpu.memory_space<hbm>> -> memref<1x640x128xf32, #tpu.memory_space<hbm>>
      %dma_start3A_58 = tpu.memref_squeeze %dma_start3A_57 : memref<1x640x128xf32, #tpu.memory_space<hbm>> -> memref<640x128xf32, #tpu.memory_space<hbm>>
      %dma_start3A_59 = arith.constant 0 : i32
      %dma_start3A_60 = tpu.memref_slice %arg16[%mul3A_55, %dma_start3A_59] : memref<10240x128xf32, #tpu.memory_space<vmem_shared>> -> memref<640x128xf32, #tpu.memory_space<vmem_shared>>
      tpu.enqueue_dma source(%dma_start3A_60 : memref<640x128xf32, #tpu.memory_space<vmem_shared>>) target(%dma_start3A_58 : memref<640x128xf32, #tpu.memory_space<hbm>>) target_semaphore(%run_scoped3A : memref<!tpu.dma_semaphore, #tpu.memory_space<semaphore_mem>>)
      %dma_wait3A_61 = arith.constant 0 : i32
      %dma_wait3A_62 = tpu.memref_slice %arg5[%arg0, %mul3A_55, %dma_wait3A_61] : memref<2x10240x128xf32, #tpu.memory_space<hbm>> -> memref<1x640x128xf32, #tpu.memory_space<hbm>>
      %dma_wait3A_63 = tpu.memref_squeeze %dma_wait3A_62 : memref<1x640x128xf32, #tpu.memory_space<hbm>> -> memref<640x128xf32, #tpu.memory_space<hbm>>
      %dma_wait3A_64 = arith.constant 0 : i32
      %dma_wait3A_65 = tpu.memref_slice %arg16[%mul3A_55, %dma_wait3A_64] : memref<10240x128xf32, #tpu.memory_space<vmem_shared>> -> memref<640x128xf32, #tpu.memory_space<vmem_shared>>
      tpu.wait_dma2 semaphore(%run_scoped3A : memref<!tpu.dma_semaphore, #tpu.memory_space<semaphore_mem>>) src(%dma_wait3A_65 : memref<640x128xf32, #tpu.memory_space<vmem_shared>>) dst(%dma_wait3A_63 : memref<640x128xf32, #tpu.memory_space<hbm>>)
      tpu.yield
    }) : () -> ()
    return
  }
}

#map = affine_map<(d0, d1) -> (0, 0)>
#map1 = affine_map<(d0, d1) -> (0)>
#map2 = affine_map<(d0, d1) -> (0, 0, 0)>
module attributes {stable_mosaic.version = 14 : i64} {
  func.func @_sc_agg_body(%arg0: i32, %arg1: i32, %arg2: memref<10000x128xf32, #tpu.memory_space<hbm>>, %arg3: memref<327680xi32, #tpu.memory_space<hbm>>, %arg4: memref<327680xi32, #tpu.memory_space<hbm>>, %arg5: memref<2x10240x128xf32, #tpu.memory_space<hbm>>, %arg6: memref<128xi32, #tpu.memory_space<vmem>>, %arg7: memref<128xi32, #tpu.memory_space<vmem>>, %arg8: memref<128xi32, #tpu.memory_space<vmem>>, %arg9: memref<128xi32, #tpu.memory_space<vmem>>, %arg10: memref<128xi32, #tpu.memory_space<vmem>>, %arg11: memref<128xi32, #tpu.memory_space<vmem>>, %arg12: memref<128xi32, #tpu.memory_space<vmem>>, %arg13: memref<128xi32, #tpu.memory_space<vmem>>, %arg14: memref<128x128xf32, #tpu.memory_space<vmem>>, %arg15: memref<128x128xf32, #tpu.memory_space<vmem>>, %arg16: memref<10240x128xf32, #tpu.memory_space<vmem_shared>>, %arg17: memref<!tpu.dma_semaphore, #tpu.memory_space<semaphore_mem>>, %arg18: memref<!tpu.dma_semaphore, #tpu.memory_space<semaphore_mem>>, %arg19: memref<!tpu.dma_semaphore, #tpu.memory_space<semaphore_mem>>, %arg20: memref<!tpu.dma_semaphore, #tpu.memory_space<semaphore_mem>>, %arg21: memref<!tpu.dma_semaphore, #tpu.memory_space<semaphore_mem>>, %arg22: memref<!tpu.dma_semaphore, #tpu.memory_space<semaphore_mem>>, %arg23: memref<!tpu.dma_semaphore, #tpu.memory_space<semaphore_mem>>, %arg24: memref<!tpu.dma_semaphore, #tpu.memory_space<semaphore_mem>>, %arg25: memref<!tpu.dma_semaphore, #tpu.memory_space<semaphore_mem>>, %arg26: memref<!tpu.dma_semaphore, #tpu.memory_space<semaphore_mem>>) attributes {dimension_semantics = [#tpu.dimension_semantics<core_parallel>, #tpu.dimension_semantics<subcore_parallel>], iteration_bounds = array<i64: 2, 16>, scalar_prefetch = 0 : i64, scratch_operands = 21 : i64, tpu.core_type = #tpu.core_type<sc_vector_subcore>, window_params = [{transform_indices = #map}, {transform_indices = #map1}, {transform_indices = #map1}, {transform_indices = #map2}]} {
    %mul3A = arith.constant 16 : i32
    %mul3A_0 = arith.muli %arg0, %mul3A : i32
    %add3A = arith.addi %mul3A_0, %arg1 : i32
    %mul3A_1 = arith.constant 10240 : i32
    %mul3A_2 = arith.muli %add3A, %mul3A_1 : i32
    %scan3A = arith.constant 0 : i32
    %scan3A_3 = arith.constant 0 : i32
    %scan3A_4 = arith.constant 128 : i32
    %scan3A_5 = arith.addi %scan3A_3, %scan3A_4 : i32
    %scan3A_6 = arith.constant 1 : i32
    %scan3A_7 = scf.for %scan3A_56 = %scan3A_3 to %scan3A_5 step %scan3A_6 iter_args(%scan3A_57 = %scan3A) -> (i32)  : i32 {
      %broadcast_in_dim3A = arith.constant 0.000000e+00 : f32
      %broadcast_in_dim3A_58 = vector.broadcast %broadcast_in_dim3A : f32 to vector<16xf32>
      %swap3A = arith.index_cast %scan3A_56 : i32 to index
      %swap3A_59 = arith.constant 0 : index
      %swap3A_60 = tpu.vector_load %arg14[%swap3A, %swap3A_59] {strides = array<i32>} : memref<128x128xf32, #tpu.memory_space<vmem>>, vector<1x16xf32>,
      %swap3A_61 = vector.shape_cast %swap3A_60 : vector<1x16xf32> to vector<16xf32>
      %swap3A_62 = vector.shape_cast %broadcast_in_dim3A_58 : vector<16xf32> to vector<1x16xf32>
      tpu.vector_store %arg14[%swap3A, %swap3A_59], %swap3A_62 {strides = array<i32>} : memref<128x128xf32, #tpu.memory_space<vmem>>, vector<1x16xf32>,
      %broadcast_in_dim3A_63 = arith.constant 0.000000e+00 : f32
      %broadcast_in_dim3A_64 = vector.broadcast %broadcast_in_dim3A_63 : f32 to vector<16xf32>
      %swap3A_65 = arith.index_cast %scan3A_56 : i32 to index
      %swap3A_66 = arith.constant 16 : index
      %swap3A_67 = tpu.vector_load %arg14[%swap3A_65, %swap3A_66] {strides = array<i32>} : memref<128x128xf32, #tpu.memory_space<vmem>>, vector<1x16xf32>,
      %swap3A_68 = vector.shape_cast %swap3A_67 : vector<1x16xf32> to vector<16xf32>
      %swap3A_69 = vector.shape_cast %broadcast_in_dim3A_64 : vector<16xf32> to vector<1x16xf32>
      tpu.vector_store %arg14[%swap3A_65, %swap3A_66], %swap3A_69 {strides = array<i32>} : memref<128x128xf32, #tpu.memory_space<vmem>>, vector<1x16xf32>,
      %broadcast_in_dim3A_70 = arith.constant 0.000000e+00 : f32
      %broadcast_in_dim3A_71 = vector.broadcast %broadcast_in_dim3A_70 : f32 to vector<16xf32>
      %swap3A_72 = arith.index_cast %scan3A_56 : i32 to index
      %swap3A_73 = arith.constant 32 : index
      %swap3A_74 = tpu.vector_load %arg14[%swap3A_72, %swap3A_73] {strides = array<i32>} : memref<128x128xf32, #tpu.memory_space<vmem>>, vector<1x16xf32>,
      %swap3A_75 = vector.shape_cast %swap3A_74 : vector<1x16xf32> to vector<16xf32>
      %swap3A_76 = vector.shape_cast %broadcast_in_dim3A_71 : vector<16xf32> to vector<1x16xf32>
      tpu.vector_store %arg14[%swap3A_72, %swap3A_73], %swap3A_76 {strides = array<i32>} : memref<128x128xf32, #tpu.memory_space<vmem>>, vector<1x16xf32>,
      %broadcast_in_dim3A_77 = arith.constant 0.000000e+00 : f32
      %broadcast_in_dim3A_78 = vector.broadcast %broadcast_in_dim3A_77 : f32 to vector<16xf32>
      %swap3A_79 = arith.index_cast %scan3A_56 : i32 to index
      %swap3A_80 = arith.constant 48 : index
      %swap3A_81 = tpu.vector_load %arg14[%swap3A_79, %swap3A_80] {strides = array<i32>} : memref<128x128xf32, #tpu.memory_space<vmem>>, vector<1x16xf32>,
      %swap3A_82 = vector.shape_cast %swap3A_81 : vector<1x16xf32> to vector<16xf32>
      %swap3A_83 = vector.shape_cast %broadcast_in_dim3A_78 : vector<16xf32> to vector<1x16xf32>
      tpu.vector_store %arg14[%swap3A_79, %swap3A_80], %swap3A_83 {strides = array<i32>} : memref<128x128xf32, #tpu.memory_space<vmem>>, vector<1x16xf32>,
      %broadcast_in_dim3A_84 = arith.constant 0.000000e+00 : f32
      %broadcast_in_dim3A_85 = vector.broadcast %broadcast_in_dim3A_84 : f32 to vector<16xf32>
      %swap3A_86 = arith.index_cast %scan3A_56 : i32 to index
      %swap3A_87 = arith.constant 64 : index
      %swap3A_88 = tpu.vector_load %arg14[%swap3A_86, %swap3A_87] {strides = array<i32>} : memref<128x128xf32, #tpu.memory_space<vmem>>, vector<1x16xf32>,
      %swap3A_89 = vector.shape_cast %swap3A_88 : vector<1x16xf32> to vector<16xf32>
      %swap3A_90 = vector.shape_cast %broadcast_in_dim3A_85 : vector<16xf32> to vector<1x16xf32>
      tpu.vector_store %arg14[%swap3A_86, %swap3A_87], %swap3A_90 {strides = array<i32>} : memref<128x128xf32, #tpu.memory_space<vmem>>, vector<1x16xf32>,
      %broadcast_in_dim3A_91 = arith.constant 0.000000e+00 : f32
      %broadcast_in_dim3A_92 = vector.broadcast %broadcast_in_dim3A_91 : f32 to vector<16xf32>
      %swap3A_93 = arith.index_cast %scan3A_56 : i32 to index
      %swap3A_94 = arith.constant 80 : index
      %swap3A_95 = tpu.vector_load %arg14[%swap3A_93, %swap3A_94] {strides = array<i32>} : memref<128x128xf32, #tpu.memory_space<vmem>>, vector<1x16xf32>,
      %swap3A_96 = vector.shape_cast %swap3A_95 : vector<1x16xf32> to vector<16xf32>
      %swap3A_97 = vector.shape_cast %broadcast_in_dim3A_92 : vector<16xf32> to vector<1x16xf32>
      tpu.vector_store %arg14[%swap3A_93, %swap3A_94], %swap3A_97 {strides = array<i32>} : memref<128x128xf32, #tpu.memory_space<vmem>>, vector<1x16xf32>,
      %broadcast_in_dim3A_98 = arith.constant 0.000000e+00 : f32
      %broadcast_in_dim3A_99 = vector.broadcast %broadcast_in_dim3A_98 : f32 to vector<16xf32>
      %swap3A_100 = arith.index_cast %scan3A_56 : i32 to index
      %swap3A_101 = arith.constant 96 : index
      %swap3A_102 = tpu.vector_load %arg14[%swap3A_100, %swap3A_101] {strides = array<i32>} : memref<128x128xf32, #tpu.memory_space<vmem>>, vector<1x16xf32>,
      %swap3A_103 = vector.shape_cast %swap3A_102 : vector<1x16xf32> to vector<16xf32>
      %swap3A_104 = vector.shape_cast %broadcast_in_dim3A_99 : vector<16xf32> to vector<1x16xf32>
      tpu.vector_store %arg14[%swap3A_100, %swap3A_101], %swap3A_104 {strides = array<i32>} : memref<128x128xf32, #tpu.memory_space<vmem>>, vector<1x16xf32>,
      %broadcast_in_dim3A_105 = arith.constant 0.000000e+00 : f32
      %broadcast_in_dim3A_106 = vector.broadcast %broadcast_in_dim3A_105 : f32 to vector<16xf32>
      %swap3A_107 = arith.index_cast %scan3A_56 : i32 to index
      %swap3A_108 = arith.constant 112 : index
      %swap3A_109 = tpu.vector_load %arg14[%swap3A_107, %swap3A_108] {strides = array<i32>} : memref<128x128xf32, #tpu.memory_space<vmem>>, vector<1x16xf32>,
      %swap3A_110 = vector.shape_cast %swap3A_109 : vector<1x16xf32> to vector<16xf32>
      %swap3A_111 = vector.shape_cast %broadcast_in_dim3A_106 : vector<16xf32> to vector<1x16xf32>
      tpu.vector_store %arg14[%swap3A_107, %swap3A_108], %swap3A_111 {strides = array<i32>} : memref<128x128xf32, #tpu.memory_space<vmem>>, vector<1x16xf32>,
      %scan3A_112 = arith.constant 0 : i32
      scf.yield %scan3A_112 : i32
    }
    %scan3A_8 = arith.constant 128 : i32
    %mul3A_9 = arith.constant 640 : i32
    %mul3A_10 = arith.muli %arg1, %mul3A_9 : i32
    %add3A_11 = arith.constant 0 : i32
    %add3A_12 = arith.addi %mul3A_10, %add3A_11 : i32
    "tpu.region"() ({
      %run_scoped3A = tpu.sem_alloc : memref<!tpu.dma_semaphore, #tpu.memory_space<semaphore_mem>>
      %dma_start3A_56 = arith.constant 0 : i32
      %dma_start3A_57 = tpu.memref_slice %arg16[%add3A_12, %dma_start3A_56] : memref<10240x128xf32, #tpu.memory_space<vmem_shared>> -> memref<128x128xf32, #tpu.memory_space<vmem_shared>>
      %dma_start3A_58 = arith.constant 0 : i32
      %dma_start3A_59 = tpu.memref_slice %arg16[%add3A_12, %dma_start3A_58] : memref<10240x128xf32, #tpu.memory_space<vmem_shared>> -> memref<128x128xf32, #tpu.memory_space<vmem_shared>>
      tpu.enqueue_dma source(%arg14 : memref<128x128xf32, #tpu.memory_space<vmem>>) target(%dma_start3A_59 : memref<128x128xf32, #tpu.memory_space<vmem_shared>>) target_semaphore(%run_scoped3A : memref<!tpu.dma_semaphore, #tpu.memory_space<semaphore_mem>>)
      %dma_wait3A_60 = arith.constant 0 : i32
      %dma_wait3A_61 = tpu.memref_slice %arg16[%add3A_12, %dma_wait3A_60] : memref<10240x128xf32, #tpu.memory_space<vmem_shared>> -> memref<128x128xf32, #tpu.memory_space<vmem_shared>>
      %dma_wait3A_62 = arith.constant 0 : i32
      %dma_wait3A_63 = tpu.memref_slice %arg16[%add3A_12, %dma_wait3A_62] : memref<10240x128xf32, #tpu.memory_space<vmem_shared>> -> memref<128x128xf32, #tpu.memory_space<vmem_shared>>
      tpu.wait_dma2 semaphore(%run_scoped3A : memref<!tpu.dma_semaphore, #tpu.memory_space<semaphore_mem>>) src(%arg14 : memref<128x128xf32, #tpu.memory_space<vmem>>) dst(%dma_wait3A_63 : memref<128x128xf32, #tpu.memory_space<vmem_shared>>)
      tpu.yield
    }) : () -> ()
    %add3A_13 = arith.constant 128 : i32
    %add3A_14 = arith.addi %mul3A_10, %add3A_13 : i32
    "tpu.region"() ({
      %run_scoped3A = tpu.sem_alloc : memref<!tpu.dma_semaphore, #tpu.memory_space<semaphore_mem>>
      %dma_start3A_56 = arith.constant 0 : i32
      %dma_start3A_57 = tpu.memref_slice %arg16[%add3A_14, %dma_start3A_56] : memref<10240x128xf32, #tpu.memory_space<vmem_shared>> -> memref<128x128xf32, #tpu.memory_space<vmem_shared>>
      %dma_start3A_58 = arith.constant 0 : i32
      %dma_start3A_59 = tpu.memref_slice %arg16[%add3A_14, %dma_start3A_58] : memref<10240x128xf32, #tpu.memory_space<vmem_shared>> -> memref<128x128xf32, #tpu.memory_space<vmem_shared>>
      tpu.enqueue_dma source(%arg14 : memref<128x128xf32, #tpu.memory_space<vmem>>) target(%dma_start3A_59 : memref<128x128xf32, #tpu.memory_space<vmem_shared>>) target_semaphore(%run_scoped3A : memref<!tpu.dma_semaphore, #tpu.memory_space<semaphore_mem>>)
      %dma_wait3A_60 = arith.constant 0 : i32
      %dma_wait3A_61 = tpu.memref_slice %arg16[%add3A_14, %dma_wait3A_60] : memref<10240x128xf32, #tpu.memory_space<vmem_shared>> -> memref<128x128xf32, #tpu.memory_space<vmem_shared>>
      %dma_wait3A_62 = arith.constant 0 : i32
      %dma_wait3A_63 = tpu.memref_slice %arg16[%add3A_14, %dma_wait3A_62] : memref<10240x128xf32, #tpu.memory_space<vmem_shared>> -> memref<128x128xf32, #tpu.memory_space<vmem_shared>>
      tpu.wait_dma2 semaphore(%run_scoped3A : memref<!tpu.dma_semaphore, #tpu.memory_space<semaphore_mem>>) src(%arg14 : memref<128x128xf32, #tpu.memory_space<vmem>>) dst(%dma_wait3A_63 : memref<128x128xf32, #tpu.memory_space<vmem_shared>>)
      tpu.yield
    }) : () -> ()
    %add3A_15 = arith.constant 256 : i32
    %add3A_16 = arith.addi %mul3A_10, %add3A_15 : i32
    "tpu.region"() ({
      %run_scoped3A = tpu.sem_alloc : memref<!tpu.dma_semaphore, #tpu.memory_space<semaphore_mem>>
      %dma_start3A_56 = arith.constant 0 : i32
      %dma_start3A_57 = tpu.memref_slice %arg16[%add3A_16, %dma_start3A_56] : memref<10240x128xf32, #tpu.memory_space<vmem_shared>> -> memref<128x128xf32, #tpu.memory_space<vmem_shared>>
      %dma_start3A_58 = arith.constant 0 : i32
      %dma_start3A_59 = tpu.memref_slice %arg16[%add3A_16, %dma_start3A_58] : memref<10240x128xf32, #tpu.memory_space<vmem_shared>> -> memref<128x128xf32, #tpu.memory_space<vmem_shared>>
      tpu.enqueue_dma source(%arg14 : memref<128x128xf32, #tpu.memory_space<vmem>>) target(%dma_start3A_59 : memref<128x128xf32, #tpu.memory_space<vmem_shared>>) target_semaphore(%run_scoped3A : memref<!tpu.dma_semaphore, #tpu.memory_space<semaphore_mem>>)
      %dma_wait3A_60 = arith.constant 0 : i32
      %dma_wait3A_61 = tpu.memref_slice %arg16[%add3A_16, %dma_wait3A_60] : memref<10240x128xf32, #tpu.memory_space<vmem_shared>> -> memref<128x128xf32, #tpu.memory_space<vmem_shared>>
      %dma_wait3A_62 = arith.constant 0 : i32
      %dma_wait3A_63 = tpu.memref_slice %arg16[%add3A_16, %dma_wait3A_62] : memref<10240x128xf32, #tpu.memory_space<vmem_shared>> -> memref<128x128xf32, #tpu.memory_space<vmem_shared>>
      tpu.wait_dma2 semaphore(%run_scoped3A : memref<!tpu.dma_semaphore, #tpu.memory_space<semaphore_mem>>) src(%arg14 : memref<128x128xf32, #tpu.memory_space<vmem>>) dst(%dma_wait3A_63 : memref<128x128xf32, #tpu.memory_space<vmem_shared>>)
      tpu.yield
    }) : () -> ()
    %add3A_17 = arith.constant 384 : i32
    %add3A_18 = arith.addi %mul3A_10, %add3A_17 : i32
    "tpu.region"() ({
      %run_scoped3A = tpu.sem_alloc : memref<!tpu.dma_semaphore, #tpu.memory_space<semaphore_mem>>
      %dma_start3A_56 = arith.constant 0 : i32
      %dma_start3A_57 = tpu.memref_slice %arg16[%add3A_18, %dma_start3A_56] : memref<10240x128xf32, #tpu.memory_space<vmem_shared>> -> memref<128x128xf32, #tpu.memory_space<vmem_shared>>
      %dma_start3A_58 = arith.constant 0 : i32
      %dma_start3A_59 = tpu.memref_slice %arg16[%add3A_18, %dma_start3A_58] : memref<10240x128xf32, #tpu.memory_space<vmem_shared>> -> memref<128x128xf32, #tpu.memory_space<vmem_shared>>
      tpu.enqueue_dma source(%arg14 : memref<128x128xf32, #tpu.memory_space<vmem>>) target(%dma_start3A_59 : memref<128x128xf32, #tpu.memory_space<vmem_shared>>) target_semaphore(%run_scoped3A : memref<!tpu.dma_semaphore, #tpu.memory_space<semaphore_mem>>)
      %dma_wait3A_60 = arith.constant 0 : i32
      %dma_wait3A_61 = tpu.memref_slice %arg16[%add3A_18, %dma_wait3A_60] : memref<10240x128xf32, #tpu.memory_space<vmem_shared>> -> memref<128x128xf32, #tpu.memory_space<vmem_shared>>
      %dma_wait3A_62 = arith.constant 0 : i32
      %dma_wait3A_63 = tpu.memref_slice %arg16[%add3A_18, %dma_wait3A_62] : memref<10240x128xf32, #tpu.memory_space<vmem_shared>> -> memref<128x128xf32, #tpu.memory_space<vmem_shared>>
      tpu.wait_dma2 semaphore(%run_scoped3A : memref<!tpu.dma_semaphore, #tpu.memory_space<semaphore_mem>>) src(%arg14 : memref<128x128xf32, #tpu.memory_space<vmem>>) dst(%dma_wait3A_63 : memref<128x128xf32, #tpu.memory_space<vmem_shared>>)
      tpu.yield
    }) : () -> ()
    %add3A_19 = arith.constant 512 : i32
    %add3A_20 = arith.addi %mul3A_10, %add3A_19 : i32
    "tpu.region"() ({
      %run_scoped3A = tpu.sem_alloc : memref<!tpu.dma_semaphore, #tpu.memory_space<semaphore_mem>>
      %dma_start3A_56 = arith.constant 0 : i32
      %dma_start3A_57 = tpu.memref_slice %arg16[%add3A_20, %dma_start3A_56] : memref<10240x128xf32, #tpu.memory_space<vmem_shared>> -> memref<128x128xf32, #tpu.memory_space<vmem_shared>>
      %dma_start3A_58 = arith.constant 0 : i32
      %dma_start3A_59 = tpu.memref_slice %arg16[%add3A_20, %dma_start3A_58] : memref<10240x128xf32, #tpu.memory_space<vmem_shared>> -> memref<128x128xf32, #tpu.memory_space<vmem_shared>>
      tpu.enqueue_dma source(%arg14 : memref<128x128xf32, #tpu.memory_space<vmem>>) target(%dma_start3A_59 : memref<128x128xf32, #tpu.memory_space<vmem_shared>>) target_semaphore(%run_scoped3A : memref<!tpu.dma_semaphore, #tpu.memory_space<semaphore_mem>>)
      %dma_wait3A_60 = arith.constant 0 : i32
      %dma_wait3A_61 = tpu.memref_slice %arg16[%add3A_20, %dma_wait3A_60] : memref<10240x128xf32, #tpu.memory_space<vmem_shared>> -> memref<128x128xf32, #tpu.memory_space<vmem_shared>>
      %dma_wait3A_62 = arith.constant 0 : i32
      %dma_wait3A_63 = tpu.memref_slice %arg16[%add3A_20, %dma_wait3A_62] : memref<10240x128xf32, #tpu.memory_space<vmem_shared>> -> memref<128x128xf32, #tpu.memory_space<vmem_shared>>
      tpu.wait_dma2 semaphore(%run_scoped3A : memref<!tpu.dma_semaphore, #tpu.memory_space<semaphore_mem>>) src(%arg14 : memref<128x128xf32, #tpu.memory_space<vmem>>) dst(%dma_wait3A_63 : memref<128x128xf32, #tpu.memory_space<vmem_shared>>)
      tpu.yield
    }) : () -> ()
    %barrier3A = arith.constant 0 : index
    tpu.barrier barrier_id(%barrier3A)
    %add3A_21 = arith.constant 0 : i32
    %add3A_22 = arith.addi %mul3A_2, %add3A_21 : i32
    %dma_start3A = tpu.memref_slice %arg3[%add3A_22] : memref<327680xi32, #tpu.memory_space<hbm>> -> memref<128xi32, #tpu.memory_space<hbm>>
    %dma_start3A_23 = tpu.memref_slice %arg3[%add3A_22] : memref<327680xi32, #tpu.memory_space<hbm>> -> memref<128xi32, #tpu.memory_space<hbm>>
    tpu.enqueue_dma source(%dma_start3A_23 : memref<128xi32, #tpu.memory_space<hbm>>) target(%arg6 : memref<128xi32, #tpu.memory_space<vmem>>) target_semaphore(%arg17 : memref<!tpu.dma_semaphore, #tpu.memory_space<semaphore_mem>>)
    %add3A_24 = arith.constant 0 : i32
    %add3A_25 = arith.addi %mul3A_2, %add3A_24 : i32
    %dma_start3A_26 = tpu.memref_slice %arg4[%add3A_25] : memref<327680xi32, #tpu.memory_space<hbm>> -> memref<128xi32, #tpu.memory_space<hbm>>
    %dma_start3A_27 = tpu.memref_slice %arg4[%add3A_25] : memref<327680xi32, #tpu.memory_space<hbm>> -> memref<128xi32, #tpu.memory_space<hbm>>
    tpu.enqueue_dma source(%dma_start3A_27 : memref<128xi32, #tpu.memory_space<hbm>>) target(%arg10 : memref<128xi32, #tpu.memory_space<vmem>>) target_semaphore(%arg21 : memref<!tpu.dma_semaphore, #tpu.memory_space<semaphore_mem>>)
    %add3A_28 = arith.constant 128 : i32
    %add3A_29 = arith.addi %mul3A_2, %add3A_28 : i32
    %dma_start3A_30 = tpu.memref_slice %arg3[%add3A_29] : memref<327680xi32, #tpu.memory_space<hbm>> -> memref<128xi32, #tpu.memory_space<hbm>>
    %dma_start3A_31 = tpu.memref_slice %arg3[%add3A_29] : memref<327680xi32, #tpu.memory_space<hbm>> -> memref<128xi32, #tpu.memory_space<hbm>>
    tpu.enqueue_dma source(%dma_start3A_31 : memref<128xi32, #tpu.memory_space<hbm>>) target(%arg7 : memref<128xi32, #tpu.memory_space<vmem>>) target_semaphore(%arg18 : memref<!tpu.dma_semaphore, #tpu.memory_space<semaphore_mem>>)
    %add3A_32 = arith.constant 128 : i32
    %add3A_33 = arith.addi %mul3A_2, %add3A_32 : i32
    %dma_start3A_34 = tpu.memref_slice %arg4[%add3A_33] : memref<327680xi32, #tpu.memory_space<hbm>> -> memref<128xi32, #tpu.memory_space<hbm>>
    %dma_start3A_35 = tpu.memref_slice %arg4[%add3A_33] : memref<327680xi32, #tpu.memory_space<hbm>> -> memref<128xi32, #tpu.memory_space<hbm>>
    tpu.enqueue_dma source(%dma_start3A_35 : memref<128xi32, #tpu.memory_space<hbm>>) target(%arg11 : memref<128xi32, #tpu.memory_space<vmem>>) target_semaphore(%arg22 : memref<!tpu.dma_semaphore, #tpu.memory_space<semaphore_mem>>)
    %dma_wait3A = arith.constant 0 : i32
    %dma_wait3A_36 = tpu.memref_slice %arg3[%dma_wait3A] : memref<327680xi32, #tpu.memory_space<hbm>> -> memref<128xi32, #tpu.memory_space<hbm>>
    %dma_wait3A_37 = arith.constant 0 : i32
    %dma_wait3A_38 = tpu.memref_slice %arg3[%dma_wait3A_37] : memref<327680xi32, #tpu.memory_space<hbm>> -> memref<128xi32, #tpu.memory_space<hbm>>
    tpu.wait_dma2 semaphore(%arg17 : memref<!tpu.dma_semaphore, #tpu.memory_space<semaphore_mem>>) src(%dma_wait3A_38 : memref<128xi32, #tpu.memory_space<hbm>>) dst(%arg6 : memref<128xi32, #tpu.memory_space<vmem>>)
    %dma_wait3A_39 = arith.constant 0 : i32
    %dma_wait3A_40 = tpu.memref_slice %arg4[%dma_wait3A_39] : memref<327680xi32, #tpu.memory_space<hbm>> -> memref<128xi32, #tpu.memory_space<hbm>>
    %dma_wait3A_41 = arith.constant 0 : i32
    %dma_wait3A_42 = tpu.memref_slice %arg4[%dma_wait3A_41] : memref<327680xi32, #tpu.memory_space<hbm>> -> memref<128xi32, #tpu.memory_space<hbm>>
    tpu.wait_dma2 semaphore(%arg21 : memref<!tpu.dma_semaphore, #tpu.memory_space<semaphore_mem>>) src(%dma_wait3A_42 : memref<128xi32, #tpu.memory_space<hbm>>) dst(%arg10 : memref<128xi32, #tpu.memory_space<vmem>>)
    %dma_start3A_43 = arith.constant 0 : i32
    %dma_start3A_44 = arith.constant 0 : i32
    %dma_start3A_45 = tpu.memref_slice %arg2[%dma_start3A_43, %dma_start3A_44] : memref<10000x128xf32, #tpu.memory_space<hbm>> -> memref<10000x128xf32, #tpu.memory_space<hbm>>
    tpu.enqueue_indirect_dma source(%dma_start3A_45 : memref<10000x128xf32, #tpu.memory_space<hbm>>) target(%arg14 : memref<128x128xf32, #tpu.memory_space<vmem>>) offsets(%arg6 : memref<128xi32, #tpu.memory_space<vmem>>) semaphore(%arg25 : memref<!tpu.dma_semaphore, #tpu.memory_space<semaphore_mem>>)
    %scan3A_46 = arith.constant 0 : i32
    %scan3A_47 = arith.constant 0 : i32
    %scan3A_48 = arith.constant 20 : i32
    %scan3A_49 = arith.addi %scan3A_47, %scan3A_48 : i32
    %scan3A_50 = arith.constant 1 : i32
    %scan3A_51 = scf.for %scan3A_56 = %scan3A_47 to %scan3A_49 step %scan3A_50 iter_args(%scan3A_57 = %scan3A_46) -> (i32)  : i32 {
      %mul3A_58 = arith.constant 4 : i32
      %mul3A_59 = arith.muli %mul3A_58, %scan3A_56 : i32
      %add3A_60 = arith.constant 0 : i32
      %add3A_61 = arith.addi %mul3A_59, %add3A_60 : i32
      %add3A_62 = arith.constant 1 : i32
      %add3A_63 = arith.addi %add3A_61, %add3A_62 : i32
      %lt3A = arith.constant 80 : i32
      %lt3A_64 = arith.cmpi slt, %add3A_63, %lt3A : i32
      %convert_element_type3A = arith.extui %lt3A_64 : i1 to i32
      %cond3A = arith.constant 0 : i32
      %cond3A_65 = arith.cmpi ne, %convert_element_type3A, %cond3A : i32
      scf.if %cond3A_65 {
        %dma_wait3A_140 = arith.constant 0 : i32
        %dma_wait3A_141 = tpu.memref_slice %arg3[%dma_wait3A_140] : memref<327680xi32, #tpu.memory_space<hbm>> -> memref<128xi32, #tpu.memory_space<hbm>>
        %dma_wait3A_142 = arith.constant 0 : i32
        %dma_wait3A_143 = tpu.memref_slice %arg3[%dma_wait3A_142] : memref<327680xi32, #tpu.memory_space<hbm>> -> memref<128xi32, #tpu.memory_space<hbm>>
        tpu.wait_dma2 semaphore(%arg18 : memref<!tpu.dma_semaphore, #tpu.memory_space<semaphore_mem>>) src(%dma_wait3A_143 : memref<128xi32, #tpu.memory_space<hbm>>) dst(%arg7 : memref<128xi32, #tpu.memory_space<vmem>>)
        %dma_wait3A_144 = arith.constant 0 : i32
        %dma_wait3A_145 = tpu.memref_slice %arg4[%dma_wait3A_144] : memref<327680xi32, #tpu.memory_space<hbm>> -> memref<128xi32, #tpu.memory_space<hbm>>
        %dma_wait3A_146 = arith.constant 0 : i32
        %dma_wait3A_147 = tpu.memref_slice %arg4[%dma_wait3A_146] : memref<327680xi32, #tpu.memory_space<hbm>> -> memref<128xi32, #tpu.memory_space<hbm>>
        tpu.wait_dma2 semaphore(%arg22 : memref<!tpu.dma_semaphore, #tpu.memory_space<semaphore_mem>>) src(%dma_wait3A_147 : memref<128xi32, #tpu.memory_space<hbm>>) dst(%arg11 : memref<128xi32, #tpu.memory_space<vmem>>)
        %dma_start3A_148 = arith.constant 0 : i32
        %dma_start3A_149 = arith.constant 0 : i32
        %dma_start3A_150 = tpu.memref_slice %arg2[%dma_start3A_148, %dma_start3A_149] : memref<10000x128xf32, #tpu.memory_space<hbm>> -> memref<10000x128xf32, #tpu.memory_space<hbm>>
        tpu.enqueue_indirect_dma source(%dma_start3A_150 : memref<10000x128xf32, #tpu.memory_space<hbm>>) target(%arg15 : memref<128x128xf32, #tpu.memory_space<vmem>>) offsets(%arg7 : memref<128xi32, #tpu.memory_space<vmem>>) semaphore(%arg26 : memref<!tpu.dma_semaphore, #tpu.memory_space<semaphore_mem>>)
      } else {
      }
      %dma_wait3A_66 = arith.constant 0 : i32
      %dma_wait3A_67 = arith.constant 0 : i32
      %dma_wait3A_68 = tpu.memref_slice %arg2[%dma_wait3A_66, %dma_wait3A_67] : memref<10000x128xf32, #tpu.memory_space<hbm>> -> memref<10000x128xf32, #tpu.memory_space<hbm>>
      tpu.wait_indirect_dma semaphore(%arg25 : memref<!tpu.dma_semaphore, #tpu.memory_space<semaphore_mem>>) src(%dma_wait3A_68 : memref<10000x128xf32, #tpu.memory_space<hbm>>) dst(%arg14 : memref<128x128xf32, #tpu.memory_space<vmem>>)
      "tpu.region"() ({
        %run_scoped3A = tpu.sem_alloc : memref<!tpu.dma_semaphore, #tpu.memory_space<semaphore_mem>>
        %dma_start3A_140 = arith.constant 0 : i32
        %dma_start3A_141 = arith.constant 0 : i32
        %dma_start3A_142 = tpu.memref_slice %arg14[%dma_start3A_140, %dma_start3A_141] : memref<128x128xf32, #tpu.memory_space<vmem>> -> memref<16x128xf32, #tpu.memory_space<vmem>>
        %dma_start3A_143 = arith.constant 0 : i32
        %dma_start3A_144 = tpu.memref_slice %arg10[%dma_start3A_143] : memref<128xi32, #tpu.memory_space<vmem>> -> memref<16xi32, #tpu.memory_space<vmem>>
        %dma_start3A_145 = arith.constant 0 : i32
        %dma_start3A_146 = arith.constant 0 : i32
        %dma_start3A_147 = tpu.memref_slice %arg16[%dma_start3A_145, %dma_start3A_146] : memref<10240x128xf32, #tpu.memory_space<vmem_shared>> -> memref<10240x128xf32, #tpu.memory_space<vmem_shared>>
        tpu.enqueue_indirect_dma source(%dma_start3A_142 : memref<16x128xf32, #tpu.memory_space<vmem>>) target(%dma_start3A_147 : memref<10240x128xf32, #tpu.memory_space<vmem_shared>>) offsets(%dma_start3A_144 : memref<16xi32, #tpu.memory_space<vmem>>) semaphore(%run_scoped3A : memref<!tpu.dma_semaphore, #tpu.memory_space<semaphore_mem>>) {add = true}
        %dma_wait3A_148 = arith.constant 0 : i32
        %dma_wait3A_149 = arith.constant 0 : i32
        %dma_wait3A_150 = tpu.memref_slice %arg14[%dma_wait3A_148, %dma_wait3A_149] : memref<128x128xf32, #tpu.memory_space<vmem>> -> memref<16x128xf32, #tpu.memory_space<vmem>>
        %dma_wait3A_151 = arith.constant 0 : i32
        %dma_wait3A_152 = tpu.memref_slice %arg10[%dma_wait3A_151] : memref<128xi32, #tpu.memory_space<vmem>> -> memref<16xi32, #tpu.memory_space<vmem>>
        %dma_wait3A_153 = arith.constant 0 : i32
        %dma_wait3A_154 = arith.constant 0 : i32
        %dma_wait3A_155 = tpu.memref_slice %arg16[%dma_wait3A_153, %dma_wait3A_154] : memref<10240x128xf32, #tpu.memory_space<vmem_shared>> -> memref<10240x128xf32, #tpu.memory_space<vmem_shared>>
        tpu.wait_indirect_dma semaphore(%run_scoped3A : memref<!tpu.dma_semaphore, #tpu.memory_space<semaphore_mem>>) src(%dma_wait3A_150 : memref<16x128xf32, #tpu.memory_space<vmem>>) dst(%dma_wait3A_155 : memref<10240x128xf32, #tpu.memory_space<vmem_shared>>)
        tpu.yield
      }) : () -> ()
      %add3A_69 = arith.constant 2 : i32
      %add3A_70 = arith.addi %add3A_61, %add3A_69 : i32
      %lt3A_71 = arith.constant 80 : i32
      %lt3A_72 = arith.cmpi slt, %add3A_70, %lt3A_71 : i32
      %convert_element_type3A_73 = arith.extui %lt3A_72 : i1 to i32
      %cond3A_74 = arith.constant 0 : i32
      %cond3A_75 = arith.cmpi ne, %convert_element_type3A_73, %cond3A_74 : i32
      scf.if %cond3A_75 {
        %add3A_140 = arith.constant 2 : i32
        %add3A_141 = arith.addi %add3A_61, %add3A_140 : i32
        %mul3A_142 = arith.constant 128 : i32
        %mul3A_143 = arith.muli %add3A_141, %mul3A_142 : i32
        %add3A_144 = arith.addi %mul3A_2, %mul3A_143 : i32
        %dma_start3A_145 = tpu.memref_slice %arg3[%add3A_144] : memref<327680xi32, #tpu.memory_space<hbm>> -> memref<128xi32, #tpu.memory_space<hbm>>
        %dma_start3A_146 = tpu.memref_slice %arg3[%add3A_144] : memref<327680xi32, #tpu.memory_space<hbm>> -> memref<128xi32, #tpu.memory_space<hbm>>
        tpu.enqueue_dma source(%dma_start3A_146 : memref<128xi32, #tpu.memory_space<hbm>>) target(%arg8 : memref<128xi32, #tpu.memory_space<vmem>>) target_semaphore(%arg19 : memref<!tpu.dma_semaphore, #tpu.memory_space<semaphore_mem>>)
        %mul3A_147 = arith.constant 128 : i32
        %mul3A_148 = arith.muli %add3A_141, %mul3A_147 : i32
        %add3A_149 = arith.addi %mul3A_2, %mul3A_148 : i32
        %dma_start3A_150 = tpu.memref_slice %arg4[%add3A_149] : memref<327680xi32, #tpu.memory_space<hbm>> -> memref<128xi32, #tpu.memory_space<hbm>>
        %dma_start3A_151 = tpu.memref_slice %arg4[%add3A_149] : memref<327680xi32, #tpu.memory_space<hbm>> -> memref<128xi32, #tpu.memory_space<hbm>>
        tpu.enqueue_dma source(%dma_start3A_151 : memref<128xi32, #tpu.memory_space<hbm>>) target(%arg12 : memref<128xi32, #tpu.memory_space<vmem>>) target_semaphore(%arg23 : memref<!tpu.dma_semaphore, #tpu.memory_space<semaphore_mem>>)
      } else {
      }
      %mul3A_76 = arith.constant 4 : i32
      %mul3A_77 = arith.muli %mul3A_76, %scan3A_56 : i32
      %add3A_78 = arith.constant 1 : i32
      %add3A_79 = arith.addi %mul3A_77, %add3A_78 : i32
      %add3A_80 = arith.constant 1 : i32
      %add3A_81 = arith.addi %add3A_79, %add3A_80 : i32
      %lt3A_82 = arith.constant 80 : i32
      %lt3A_83 = arith.cmpi slt, %add3A_81, %lt3A_82 : i32
      %convert_element_type3A_84 = arith.extui %lt3A_83 : i1 to i32
      %cond3A_85 = arith.constant 0 : i32
      %cond3A_86 = arith.cmpi ne, %convert_element_type3A_84, %cond3A_85 : i32
      scf.if %cond3A_86 {
        %dma_wait3A_140 = arith.constant 0 : i32
        %dma_wait3A_141 = tpu.memref_slice %arg3[%dma_wait3A_140] : memref<327680xi32, #tpu.memory_space<hbm>> -> memref<128xi32, #tpu.memory_space<hbm>>
        %dma_wait3A_142 = arith.constant 0 : i32
        %dma_wait3A_143 = tpu.memref_slice %arg3[%dma_wait3A_142] : memref<327680xi32, #tpu.memory_space<hbm>> -> memref<128xi32, #tpu.memory_space<hbm>>
        tpu.wait_dma2 semaphore(%arg19 : memref<!tpu.dma_semaphore, #tpu.memory_space<semaphore_mem>>) src(%dma_wait3A_143 : memref<128xi32, #tpu.memory_space<hbm>>) dst(%arg8 : memref<128xi32, #tpu.memory_space<vmem>>)
        %dma_wait3A_144 = arith.constant 0 : i32
        %dma_wait3A_145 = tpu.memref_slice %arg4[%dma_wait3A_144] : memref<327680xi32, #tpu.memory_space<hbm>> -> memref<128xi32, #tpu.memory_space<hbm>>
        %dma_wait3A_146 = arith.constant 0 : i32
        %dma_wait3A_147 = tpu.memref_slice %arg4[%dma_wait3A_146] : memref<327680xi32, #tpu.memory_space<hbm>> -> memref<128xi32, #tpu.memory_space<hbm>>
        tpu.wait_dma2 semaphore(%arg23 : memref<!tpu.dma_semaphore, #tpu.memory_space<semaphore_mem>>) src(%dma_wait3A_147 : memref<128xi32, #tpu.memory_space<hbm>>) dst(%arg12 : memref<128xi32, #tpu.memory_space<vmem>>)
        %dma_start3A_148 = arith.constant 0 : i32
        %dma_start3A_149 = arith.constant 0 : i32
        %dma_start3A_150 = tpu.memref_slice %arg2[%dma_start3A_148, %dma_start3A_149] : memref<10000x128xf32, #tpu.memory_space<hbm>> -> memref<10000x128xf32, #tpu.memory_space<hbm>>
        tpu.enqueue_indirect_dma source(%dma_start3A_150 : memref<10000x128xf32, #tpu.memory_space<hbm>>) target(%arg14 : memref<128x128xf32, #tpu.memory_space<vmem>>) offsets(%arg8 : memref<128xi32, #tpu.memory_space<vmem>>) semaphore(%arg25 : memref<!tpu.dma_semaphore, #tpu.memory_space<semaphore_mem>>)
      } else {
      }
      %dma_wait3A_87 = arith.constant 0 : i32
      %dma_wait3A_88 = arith.constant 0 : i32
      %dma_wait3A_89 = tpu.memref_slice %arg2[%dma_wait3A_87, %dma_wait3A_88] : memref<10000x128xf32, #tpu.memory_space<hbm>> -> memref<10000x128xf32, #tpu.memory_space<hbm>>
      tpu.wait_indirect_dma semaphore(%arg26 : memref<!tpu.dma_semaphore, #tpu.memory_space<semaphore_mem>>) src(%dma_wait3A_89 : memref<10000x128xf32, #tpu.memory_space<hbm>>) dst(%arg15 : memref<128x128xf32, #tpu.memory_space<vmem>>)
      "tpu.region"() ({
        %run_scoped3A = tpu.sem_alloc : memref<!tpu.dma_semaphore, #tpu.memory_space<semaphore_mem>>
        %dma_start3A_140 = arith.constant 0 : i32
        %dma_start3A_141 = arith.constant 0 : i32
        %dma_start3A_142 = tpu.memref_slice %arg15[%dma_start3A_140, %dma_start3A_141] : memref<128x128xf32, #tpu.memory_space<vmem>> -> memref<16x128xf32, #tpu.memory_space<vmem>>
        %dma_start3A_143 = arith.constant 0 : i32
        %dma_start3A_144 = tpu.memref_slice %arg11[%dma_start3A_143] : memref<128xi32, #tpu.memory_space<vmem>> -> memref<16xi32, #tpu.memory_space<vmem>>
        %dma_start3A_145 = arith.constant 0 : i32
        %dma_start3A_146 = arith.constant 0 : i32
        %dma_start3A_147 = tpu.memref_slice %arg16[%dma_start3A_145, %dma_start3A_146] : memref<10240x128xf32, #tpu.memory_space<vmem_shared>> -> memref<10240x128xf32, #tpu.memory_space<vmem_shared>>
        tpu.enqueue_indirect_dma source(%dma_start3A_142 : memref<16x128xf32, #tpu.memory_space<vmem>>) target(%dma_start3A_147 : memref<10240x128xf32, #tpu.memory_space<vmem_shared>>) offsets(%dma_start3A_144 : memref<16xi32, #tpu.memory_space<vmem>>) semaphore(%run_scoped3A : memref<!tpu.dma_semaphore, #tpu.memory_space<semaphore_mem>>) {add = true}
        %dma_wait3A_148 = arith.constant 0 : i32
        %dma_wait3A_149 = arith.constant 0 : i32
        %dma_wait3A_150 = tpu.memref_slice %arg15[%dma_wait3A_148, %dma_wait3A_149] : memref<128x128xf32, #tpu.memory_space<vmem>> -> memref<16x128xf32, #tpu.memory_space<vmem>>
        %dma_wait3A_151 = arith.constant 0 : i32
        %dma_wait3A_152 = tpu.memref_slice %arg11[%dma_wait3A_151] : memref<128xi32, #tpu.memory_space<vmem>> -> memref<16xi32, #tpu.memory_space<vmem>>
        %dma_wait3A_153 = arith.constant 0 : i32
        %dma_wait3A_154 = arith.constant 0 : i32
        %dma_wait3A_155 = tpu.memref_slice %arg16[%dma_wait3A_153, %dma_wait3A_154] : memref<10240x128xf32, #tpu.memory_space<vmem_shared>> -> memref<10240x128xf32, #tpu.memory_space<vmem_shared>>
        tpu.wait_indirect_dma semaphore(%run_scoped3A : memref<!tpu.dma_semaphore, #tpu.memory_space<semaphore_mem>>) src(%dma_wait3A_150 : memref<16x128xf32, #tpu.memory_space<vmem>>) dst(%dma_wait3A_155 : memref<10240x128xf32, #tpu.memory_space<vmem_shared>>)
        tpu.yield
      }) : () -> ()
      %add3A_90 = arith.constant 2 : i32
      %add3A_91 = arith.addi %add3A_79, %add3A_90 : i32
      %lt3A_92 = arith.constant 80 : i32
      %lt3A_93 = arith.cmpi slt, %add3A_91, %lt3A_92 : i32
      %convert_element_type3A_94 = arith.extui %lt3A_93 : i1 to i32
      %cond3A_95 = arith.constant 0 : i32
      %cond3A_96 = arith.cmpi ne, %convert_element_type3A_94, %cond3A_95 : i32
      scf.if %cond3A_96 {
        %add3A_140 = arith.constant 2 : i32
        %add3A_141 = arith.addi %add3A_79, %add3A_140 : i32
        %mul3A_142 = arith.constant 128 : i32
        %mul3A_143 = arith.muli %add3A_141, %mul3A_142 : i32
        %add3A_144 = arith.addi %mul3A_2, %mul3A_143 : i32
        %dma_start3A_145 = tpu.memref_slice %arg3[%add3A_144] : memref<327680xi32, #tpu.memory_space<hbm>> -> memref<128xi32, #tpu.memory_space<hbm>>
        %dma_start3A_146 = tpu.memref_slice %arg3[%add3A_144] : memref<327680xi32, #tpu.memory_space<hbm>> -> memref<128xi32, #tpu.memory_space<hbm>>
        tpu.enqueue_dma source(%dma_start3A_146 : memref<128xi32, #tpu.memory_space<hbm>>) target(%arg9 : memref<128xi32, #tpu.memory_space<vmem>>) target_semaphore(%arg20 : memref<!tpu.dma_semaphore, #tpu.memory_space<semaphore_mem>>)
        %mul3A_147 = arith.constant 128 : i32
        %mul3A_148 = arith.muli %add3A_141, %mul3A_147 : i32
        %add3A_149 = arith.addi %mul3A_2, %mul3A_148 : i32
        %dma_start3A_150 = tpu.memref_slice %arg4[%add3A_149] : memref<327680xi32, #tpu.memory_space<hbm>> -> memref<128xi32, #tpu.memory_space<hbm>>
        %dma_start3A_151 = tpu.memref_slice %arg4[%add3A_149] : memref<327680xi32, #tpu.memory_space<hbm>> -> memref<128xi32, #tpu.memory_space<hbm>>
        tpu.enqueue_dma source(%dma_start3A_151 : memref<128xi32, #tpu.memory_space<hbm>>) target(%arg13 : memref<128xi32, #tpu.memory_space<vmem>>) target_semaphore(%arg24 : memref<!tpu.dma_semaphore, #tpu.memory_space<semaphore_mem>>)
      } else {
      }
      %mul3A_97 = arith.constant 4 : i32
      %mul3A_98 = arith.muli %mul3A_97, %scan3A_56 : i32
      %add3A_99 = arith.constant 2 : i32
      %add3A_100 = arith.addi %mul3A_98, %add3A_99 : i32
      %add3A_101 = arith.constant 1 : i32
      %add3A_102 = arith.addi %add3A_100, %add3A_101 : i32
      %lt3A_103 = arith.constant 80 : i32
      %lt3A_104 = arith.cmpi slt, %add3A_102, %lt3A_103 : i32
      %convert_element_type3A_105 = arith.extui %lt3A_104 : i1 to i32
      %cond3A_106 = arith.constant 0 : i32
      %cond3A_107 = arith.cmpi ne, %convert_element_type3A_105, %cond3A_106 : i32
      scf.if %cond3A_107 {
        %dma_wait3A_140 = arith.constant 0 : i32
        %dma_wait3A_141 = tpu.memref_slice %arg3[%dma_wait3A_140] : memref<327680xi32, #tpu.memory_space<hbm>> -> memref<128xi32, #tpu.memory_space<hbm>>
        %dma_wait3A_142 = arith.constant 0 : i32
        %dma_wait3A_143 = tpu.memref_slice %arg3[%dma_wait3A_142] : memref<327680xi32, #tpu.memory_space<hbm>> -> memref<128xi32, #tpu.memory_space<hbm>>
        tpu.wait_dma2 semaphore(%arg20 : memref<!tpu.dma_semaphore, #tpu.memory_space<semaphore_mem>>) src(%dma_wait3A_143 : memref<128xi32, #tpu.memory_space<hbm>>) dst(%arg9 : memref<128xi32, #tpu.memory_space<vmem>>)
        %dma_wait3A_144 = arith.constant 0 : i32
        %dma_wait3A_145 = tpu.memref_slice %arg4[%dma_wait3A_144] : memref<327680xi32, #tpu.memory_space<hbm>> -> memref<128xi32, #tpu.memory_space<hbm>>
        %dma_wait3A_146 = arith.constant 0 : i32
        %dma_wait3A_147 = tpu.memref_slice %arg4[%dma_wait3A_146] : memref<327680xi32, #tpu.memory_space<hbm>> -> memref<128xi32, #tpu.memory_space<hbm>>
        tpu.wait_dma2 semaphore(%arg24 : memref<!tpu.dma_semaphore, #tpu.memory_space<semaphore_mem>>) src(%dma_wait3A_147 : memref<128xi32, #tpu.memory_space<hbm>>) dst(%arg13 : memref<128xi32, #tpu.memory_space<vmem>>)
        %dma_start3A_148 = arith.constant 0 : i32
        %dma_start3A_149 = arith.constant 0 : i32
        %dma_start3A_150 = tpu.memref_slice %arg2[%dma_start3A_148, %dma_start3A_149] : memref<10000x128xf32, #tpu.memory_space<hbm>> -> memref<10000x128xf32, #tpu.memory_space<hbm>>
        tpu.enqueue_indirect_dma source(%dma_start3A_150 : memref<10000x128xf32, #tpu.memory_space<hbm>>) target(%arg15 : memref<128x128xf32, #tpu.memory_space<vmem>>) offsets(%arg9 : memref<128xi32, #tpu.memory_space<vmem>>) semaphore(%arg26 : memref<!tpu.dma_semaphore, #tpu.memory_space<semaphore_mem>>)
      } else {
      }
      %dma_wait3A_108 = arith.constant 0 : i32
      %dma_wait3A_109 = arith.constant 0 : i32
      %dma_wait3A_110 = tpu.memref_slice %arg2[%dma_wait3A_108, %dma_wait3A_109] : memref<10000x128xf32, #tpu.memory_space<hbm>> -> memref<10000x128xf32, #tpu.memory_space<hbm>>
      tpu.wait_indirect_dma semaphore(%arg25 : memref<!tpu.dma_semaphore, #tpu.memory_space<semaphore_mem>>) src(%dma_wait3A_110 : memref<10000x128xf32, #tpu.memory_space<hbm>>) dst(%arg14 : memref<128x128xf32, #tpu.memory_space<vmem>>)
      "tpu.region"() ({
        %run_scoped3A = tpu.sem_alloc : memref<!tpu.dma_semaphore, #tpu.memory_space<semaphore_mem>>
        %dma_start3A_140 = arith.constant 0 : i32
        %dma_start3A_141 = arith.constant 0 : i32
        %dma_start3A_142 = tpu.memref_slice %arg14[%dma_start3A_140, %dma_start3A_141] : memref<128x128xf32, #tpu.memory_space<vmem>> -> memref<16x128xf32, #tpu.memory_space<vmem>>
        %dma_start3A_143 = arith.constant 0 : i32
        %dma_start3A_144 = tpu.memref_slice %arg12[%dma_start3A_143] : memref<128xi32, #tpu.memory_space<vmem>> -> memref<16xi32, #tpu.memory_space<vmem>>
        %dma_start3A_145 = arith.constant 0 : i32
        %dma_start3A_146 = arith.constant 0 : i32
        %dma_start3A_147 = tpu.memref_slice %arg16[%dma_start3A_145, %dma_start3A_146] : memref<10240x128xf32, #tpu.memory_space<vmem_shared>> -> memref<10240x128xf32, #tpu.memory_space<vmem_shared>>
        tpu.enqueue_indirect_dma source(%dma_start3A_142 : memref<16x128xf32, #tpu.memory_space<vmem>>) target(%dma_start3A_147 : memref<10240x128xf32, #tpu.memory_space<vmem_shared>>) offsets(%dma_start3A_144 : memref<16xi32, #tpu.memory_space<vmem>>) semaphore(%run_scoped3A : memref<!tpu.dma_semaphore, #tpu.memory_space<semaphore_mem>>) {add = true}
        %dma_wait3A_148 = arith.constant 0 : i32
        %dma_wait3A_149 = arith.constant 0 : i32
        %dma_wait3A_150 = tpu.memref_slice %arg14[%dma_wait3A_148, %dma_wait3A_149] : memref<128x128xf32, #tpu.memory_space<vmem>> -> memref<16x128xf32, #tpu.memory_space<vmem>>
        %dma_wait3A_151 = arith.constant 0 : i32
        %dma_wait3A_152 = tpu.memref_slice %arg12[%dma_wait3A_151] : memref<128xi32, #tpu.memory_space<vmem>> -> memref<16xi32, #tpu.memory_space<vmem>>
        %dma_wait3A_153 = arith.constant 0 : i32
        %dma_wait3A_154 = arith.constant 0 : i32
        %dma_wait3A_155 = tpu.memref_slice %arg16[%dma_wait3A_153, %dma_wait3A_154] : memref<10240x128xf32, #tpu.memory_space<vmem_shared>> -> memref<10240x128xf32, #tpu.memory_space<vmem_shared>>
        tpu.wait_indirect_dma semaphore(%run_scoped3A : memref<!tpu.dma_semaphore, #tpu.memory_space<semaphore_mem>>) src(%dma_wait3A_150 : memref<16x128xf32, #tpu.memory_space<vmem>>) dst(%dma_wait3A_155 : memref<10240x128xf32, #tpu.memory_space<vmem_shared>>)
        tpu.yield
      }) : () -> ()
      %add3A_111 = arith.constant 2 : i32
      %add3A_112 = arith.addi %add3A_100, %add3A_111 : i32
      %lt3A_113 = arith.constant 80 : i32
      %lt3A_114 = arith.cmpi slt, %add3A_112, %lt3A_113 : i32
      %convert_element_type3A_115 = arith.extui %lt3A_114 : i1 to i32
      %cond3A_116 = arith.constant 0 : i32
      %cond3A_117 = arith.cmpi ne, %convert_element_type3A_115, %cond3A_116 : i32
      scf.if %cond3A_117 {
        %add3A_140 = arith.constant 2 : i32
        %add3A_141 = arith.addi %add3A_100, %add3A_140 : i32
        %mul3A_142 = arith.constant 128 : i32
        %mul3A_143 = arith.muli %add3A_141, %mul3A_142 : i32
        %add3A_144 = arith.addi %mul3A_2, %mul3A_143 : i32
        %dma_start3A_145 = tpu.memref_slice %arg3[%add3A_144] : memref<327680xi32, #tpu.memory_space<hbm>> -> memref<128xi32, #tpu.memory_space<hbm>>
        %dma_start3A_146 = tpu.memref_slice %arg3[%add3A_144] : memref<327680xi32, #tpu.memory_space<hbm>> -> memref<128xi32, #tpu.memory_space<hbm>>
        tpu.enqueue_dma source(%dma_start3A_146 : memref<128xi32, #tpu.memory_space<hbm>>) target(%arg6 : memref<128xi32, #tpu.memory_space<vmem>>) target_semaphore(%arg17 : memref<!tpu.dma_semaphore, #tpu.memory_space<semaphore_mem>>)
        %mul3A_147 = arith.constant 128 : i32
        %mul3A_148 = arith.muli %add3A_141, %mul3A_147 : i32
        %add3A_149 = arith.addi %mul3A_2, %mul3A_148 : i32
        %dma_start3A_150 = tpu.memref_slice %arg4[%add3A_149] : memref<327680xi32, #tpu.memory_space<hbm>> -> memref<128xi32, #tpu.memory_space<hbm>>
        %dma_start3A_151 = tpu.memref_slice %arg4[%add3A_149] : memref<327680xi32, #tpu.memory_space<hbm>> -> memref<128xi32, #tpu.memory_space<hbm>>
        tpu.enqueue_dma source(%dma_start3A_151 : memref<128xi32, #tpu.memory_space<hbm>>) target(%arg10 : memref<128xi32, #tpu.memory_space<vmem>>) target_semaphore(%arg21 : memref<!tpu.dma_semaphore, #tpu.memory_space<semaphore_mem>>)
      } else {
      }
      %mul3A_118 = arith.constant 4 : i32
      %mul3A_119 = arith.muli %mul3A_118, %scan3A_56 : i32
      %add3A_120 = arith.constant 3 : i32
      %add3A_121 = arith.addi %mul3A_119, %add3A_120 : i32
      %add3A_122 = arith.constant 1 : i32
      %add3A_123 = arith.addi %add3A_121, %add3A_122 : i32
      %lt3A_124 = arith.constant 80 : i32
      %lt3A_125 = arith.cmpi slt, %add3A_123, %lt3A_124 : i32
      %convert_element_type3A_126 = arith.extui %lt3A_125 : i1 to i32
      %cond3A_127 = arith.constant 0 : i32
      %cond3A_128 = arith.cmpi ne, %convert_element_type3A_126, %cond3A_127 : i32
      scf.if %cond3A_128 {
        %dma_wait3A_140 = arith.constant 0 : i32
        %dma_wait3A_141 = tpu.memref_slice %arg3[%dma_wait3A_140] : memref<327680xi32, #tpu.memory_space<hbm>> -> memref<128xi32, #tpu.memory_space<hbm>>
        %dma_wait3A_142 = arith.constant 0 : i32
        %dma_wait3A_143 = tpu.memref_slice %arg3[%dma_wait3A_142] : memref<327680xi32, #tpu.memory_space<hbm>> -> memref<128xi32, #tpu.memory_space<hbm>>
        tpu.wait_dma2 semaphore(%arg17 : memref<!tpu.dma_semaphore, #tpu.memory_space<semaphore_mem>>) src(%dma_wait3A_143 : memref<128xi32, #tpu.memory_space<hbm>>) dst(%arg6 : memref<128xi32, #tpu.memory_space<vmem>>)
        %dma_wait3A_144 = arith.constant 0 : i32
        %dma_wait3A_145 = tpu.memref_slice %arg4[%dma_wait3A_144] : memref<327680xi32, #tpu.memory_space<hbm>> -> memref<128xi32, #tpu.memory_space<hbm>>
        %dma_wait3A_146 = arith.constant 0 : i32
        %dma_wait3A_147 = tpu.memref_slice %arg4[%dma_wait3A_146] : memref<327680xi32, #tpu.memory_space<hbm>> -> memref<128xi32, #tpu.memory_space<hbm>>
        tpu.wait_dma2 semaphore(%arg21 : memref<!tpu.dma_semaphore, #tpu.memory_space<semaphore_mem>>) src(%dma_wait3A_147 : memref<128xi32, #tpu.memory_space<hbm>>) dst(%arg10 : memref<128xi32, #tpu.memory_space<vmem>>)
        %dma_start3A_148 = arith.constant 0 : i32
        %dma_start3A_149 = arith.constant 0 : i32
        %dma_start3A_150 = tpu.memref_slice %arg2[%dma_start3A_148, %dma_start3A_149] : memref<10000x128xf32, #tpu.memory_space<hbm>> -> memref<10000x128xf32, #tpu.memory_space<hbm>>
        tpu.enqueue_indirect_dma source(%dma_start3A_150 : memref<10000x128xf32, #tpu.memory_space<hbm>>) target(%arg14 : memref<128x128xf32, #tpu.memory_space<vmem>>) offsets(%arg6 : memref<128xi32, #tpu.memory_space<vmem>>) semaphore(%arg25 : memref<!tpu.dma_semaphore, #tpu.memory_space<semaphore_mem>>)
      } else {
      }
      %dma_wait3A_129 = arith.constant 0 : i32
      %dma_wait3A_130 = arith.constant 0 : i32
      %dma_wait3A_131 = tpu.memref_slice %arg2[%dma_wait3A_129, %dma_wait3A_130] : memref<10000x128xf32, #tpu.memory_space<hbm>> -> memref<10000x128xf32, #tpu.memory_space<hbm>>
      tpu.wait_indirect_dma semaphore(%arg26 : memref<!tpu.dma_semaphore, #tpu.memory_space<semaphore_mem>>) src(%dma_wait3A_131 : memref<10000x128xf32, #tpu.memory_space<hbm>>) dst(%arg15 : memref<128x128xf32, #tpu.memory_space<vmem>>)
      "tpu.region"() ({
        %run_scoped3A = tpu.sem_alloc : memref<!tpu.dma_semaphore, #tpu.memory_space<semaphore_mem>>
        %dma_start3A_140 = arith.constant 0 : i32
        %dma_start3A_141 = arith.constant 0 : i32
        %dma_start3A_142 = tpu.memref_slice %arg15[%dma_start3A_140, %dma_start3A_141] : memref<128x128xf32, #tpu.memory_space<vmem>> -> memref<16x128xf32, #tpu.memory_space<vmem>>
        %dma_start3A_143 = arith.constant 0 : i32
        %dma_start3A_144 = tpu.memref_slice %arg13[%dma_start3A_143] : memref<128xi32, #tpu.memory_space<vmem>> -> memref<16xi32, #tpu.memory_space<vmem>>
        %dma_start3A_145 = arith.constant 0 : i32
        %dma_start3A_146 = arith.constant 0 : i32
        %dma_start3A_147 = tpu.memref_slice %arg16[%dma_start3A_145, %dma_start3A_146] : memref<10240x128xf32, #tpu.memory_space<vmem_shared>> -> memref<10240x128xf32, #tpu.memory_space<vmem_shared>>
        tpu.enqueue_indirect_dma source(%dma_start3A_142 : memref<16x128xf32, #tpu.memory_space<vmem>>) target(%dma_start3A_147 : memref<10240x128xf32, #tpu.memory_space<vmem_shared>>) offsets(%dma_start3A_144 : memref<16xi32, #tpu.memory_space<vmem>>) semaphore(%run_scoped3A : memref<!tpu.dma_semaphore, #tpu.memory_space<semaphore_mem>>) {add = true}
        %dma_wait3A_148 = arith.constant 0 : i32
        %dma_wait3A_149 = arith.constant 0 : i32
        %dma_wait3A_150 = tpu.memref_slice %arg15[%dma_wait3A_148, %dma_wait3A_149] : memref<128x128xf32, #tpu.memory_space<vmem>> -> memref<16x128xf32, #tpu.memory_space<vmem>>
        %dma_wait3A_151 = arith.constant 0 : i32
        %dma_wait3A_152 = tpu.memref_slice %arg13[%dma_wait3A_151] : memref<128xi32, #tpu.memory_space<vmem>> -> memref<16xi32, #tpu.memory_space<vmem>>
        %dma_wait3A_153 = arith.constant 0 : i32
        %dma_wait3A_154 = arith.constant 0 : i32
        %dma_wait3A_155 = tpu.memref_slice %arg16[%dma_wait3A_153, %dma_wait3A_154] : memref<10240x128xf32, #tpu.memory_space<vmem_shared>> -> memref<10240x128xf32, #tpu.memory_space<vmem_shared>>
        tpu.wait_indirect_dma semaphore(%run_scoped3A : memref<!tpu.dma_semaphore, #tpu.memory_space<semaphore_mem>>) src(%dma_wait3A_150 : memref<16x128xf32, #tpu.memory_space<vmem>>) dst(%dma_wait3A_155 : memref<10240x128xf32, #tpu.memory_space<vmem_shared>>)
        tpu.yield
      }) : () -> ()
      %add3A_132 = arith.constant 2 : i32
      %add3A_133 = arith.addi %add3A_121, %add3A_132 : i32
      %lt3A_134 = arith.constant 80 : i32
      %lt3A_135 = arith.cmpi slt, %add3A_133, %lt3A_134 : i32
      %convert_element_type3A_136 = arith.extui %lt3A_135 : i1 to i32
      %cond3A_137 = arith.constant 0 : i32
      %cond3A_138 = arith.cmpi ne, %convert_element_type3A_136, %cond3A_137 : i32
      scf.if %cond3A_138 {
        %add3A_140 = arith.constant 2 : i32
        %add3A_141 = arith.addi %add3A_121, %add3A_140 : i32
        %mul3A_142 = arith.constant 128 : i32
        %mul3A_143 = arith.muli %add3A_141, %mul3A_142 : i32
        %add3A_144 = arith.addi %mul3A_2, %mul3A_143 : i32
        %dma_start3A_145 = tpu.memref_slice %arg3[%add3A_144] : memref<327680xi32, #tpu.memory_space<hbm>> -> memref<128xi32, #tpu.memory_space<hbm>>
        %dma_start3A_146 = tpu.memref_slice %arg3[%add3A_144] : memref<327680xi32, #tpu.memory_space<hbm>> -> memref<128xi32, #tpu.memory_space<hbm>>
        tpu.enqueue_dma source(%dma_start3A_146 : memref<128xi32, #tpu.memory_space<hbm>>) target(%arg7 : memref<128xi32, #tpu.memory_space<vmem>>) target_semaphore(%arg18 : memref<!tpu.dma_semaphore, #tpu.memory_space<semaphore_mem>>)
        %mul3A_147 = arith.constant 128 : i32
        %mul3A_148 = arith.muli %add3A_141, %mul3A_147 : i32
        %add3A_149 = arith.addi %mul3A_2, %mul3A_148 : i32
        %dma_start3A_150 = tpu.memref_slice %arg4[%add3A_149] : memref<327680xi32, #tpu.memory_space<hbm>> -> memref<128xi32, #tpu.memory_space<hbm>>
        %dma_start3A_151 = tpu.memref_slice %arg4[%add3A_149] : memref<327680xi32, #tpu.memory_space<hbm>> -> memref<128xi32, #tpu.memory_space<hbm>>
        tpu.enqueue_dma source(%dma_start3A_151 : memref<128xi32, #tpu.memory_space<hbm>>) target(%arg11 : memref<128xi32, #tpu.memory_space<vmem>>) target_semaphore(%arg22 : memref<!tpu.dma_semaphore, #tpu.memory_space<semaphore_mem>>)
      } else {
      }
      %scan3A_139 = arith.constant 0 : i32
      scf.yield %scan3A_139 : i32
    }
    %scan3A_52 = arith.constant 20 : i32
    %barrier3A_53 = arith.constant 0 : index
    tpu.barrier barrier_id(%barrier3A_53)
    %mul3A_54 = arith.constant 640 : i32
    %mul3A_55 = arith.muli %arg1, %mul3A_54 : i32
    "tpu.region"() ({
      %run_scoped3A = tpu.sem_alloc : memref<!tpu.dma_semaphore, #tpu.memory_space<semaphore_mem>>
      %dma_start3A_56 = arith.constant 0 : i32
      %dma_start3A_57 = tpu.memref_slice %arg5[%arg0, %mul3A_55, %dma_start3A_56] : memref<2x10240x128xf32, #tpu.memory_space<hbm>> -> memref<1x640x128xf32, #tpu.memory_space<hbm>>
      %dma_start3A_58 = tpu.memref_squeeze %dma_start3A_57 : memref<1x640x128xf32, #tpu.memory_space<hbm>> -> memref<640x128xf32, #tpu.memory_space<hbm>>
      %dma_start3A_59 = arith.constant 0 : i32
      %dma_start3A_60 = tpu.memref_slice %arg16[%mul3A_55, %dma_start3A_59] : memref<10240x128xf32, #tpu.memory_space<vmem_shared>> -> memref<640x128xf32, #tpu.memory_space<vmem_shared>>
      tpu.enqueue_dma source(%dma_start3A_60 : memref<640x128xf32, #tpu.memory_space<vmem_shared>>) target(%dma_start3A_58 : memref<640x128xf32, #tpu.memory_space<hbm>>) target_semaphore(%run_scoped3A : memref<!tpu.dma_semaphore, #tpu.memory_space<semaphore_mem>>)
      %dma_wait3A_61 = arith.constant 0 : i32
      %dma_wait3A_62 = tpu.memref_slice %arg5[%arg0, %mul3A_55, %dma_wait3A_61] : memref<2x10240x128xf32, #tpu.memory_space<hbm>> -> memref<1x640x128xf32, #tpu.memory_space<hbm>>
      %dma_wait3A_63 = tpu.memref_squeeze %dma_wait3A_62 : memref<1x640x128xf32, #tpu.memory_space<hbm>> -> memref<640x128xf32, #tpu.memory_space<hbm>>
      %dma_wait3A_64 = arith.constant 0 : i32
      %dma_wait3A_65 = tpu.memref_slice %arg16[%mul3A_55, %dma_wait3A_64] : memref<10240x128xf32, #tpu.memory_space<vmem_shared>> -> memref<640x128xf32, #tpu.memory_space<vmem_shared>>
      tpu.wait_dma2 semaphore(%run_scoped3A : memref<!tpu.dma_semaphore, #tpu.memory_space<semaphore_mem>>) src(%dma_wait3A_65 : memref<640x128xf32, #tpu.memory_space<vmem_shared>>) dst(%dma_wait3A_63 : memref<640x128xf32, #tpu.memory_space<hbm>>)
      tpu.yield
    }) : () -> ()
    return
  }
}

module attributes {stable_mosaic.version = 14 : i64} {
  func.func @_mm_gate_body(%arg0: i32, %arg1: memref<400x128xf32, #tpu.memory_space<vmem>>, %arg2: memref<128x256xf32, #tpu.memory_space<vmem>>, %arg3: memref<1x128xf32, #tpu.memory_space<vmem>>, %arg4: memref<400x128xf32, #tpu.memory_space<vmem>>, %arg5: memref<400x128xf32, #tpu.memory_space<vmem>>) attributes {dimension_semantics = [#tpu.dimension_semantics<arbitrary>], iteration_bounds = array<i64: 25>, scalar_prefetch = 0 : i64, scratch_operands = 0 : i64, tpu.core_type = #tpu.core_type<tc>, window_params = [{transform_indices = @transform_0, window_bounds = array<i64: 400, 128>}, {pipeline_mode = #tpu.pipeline_mode<synchronous>, transform_indices = @transform_1, window_bounds = array<i64: 128, 256>}, {pipeline_mode = #tpu.pipeline_mode<synchronous>, transform_indices = @transform_2, window_bounds = array<i64: 1, 128>}, {transform_indices = @transform_3, window_bounds = array<i64: 400, 128>}, {transform_indices = @transform_4, window_bounds = array<i64: 400, 128>}]} {
    %get3A = arith.constant 0 : index
    %get3A_0 = arith.constant 0 : index
    %get3A_1 = vector.load %arg1[%get3A, %get3A_0] : memref<400x128xf32, #tpu.memory_space<vmem>>, vector<400x128xf32>
    %get3A_2 = arith.constant 0 : index
    %get3A_3 = arith.constant 0 : index
    %get3A_4 = vector.load %arg2[%get3A_2, %get3A_3] : memref<128x256xf32, #tpu.memory_space<vmem>>, vector<128x256xf32>
    %dot_general3A = arith.constant dense<0.000000e+00> : vector<400x256xf32>
    %dot_general3A_5 = tpu.matmul %get3A_1, %get3A_4, %dot_general3A {dimension_numbers = #tpu.dot_dimension_numbers<[1], [0], [0], [1], [0, 0, 1, 1], [], []>, transpose_lhs_hint = false} : vector<400x128xf32>, vector<128x256xf32>, vector<400x256xf32> -> vector<400x256xf32>
    %slice3A = vector.extract_strided_slice %dot_general3A_5 {offsets = [0, 0], sizes = [400, 128], strides = [1, 1]} : vector<400x256xf32> to vector<400x128xf32>
    %swap3A = arith.constant 0 : index
    %swap3A_6 = arith.constant 0 : index
    %swap3A_7 = vector.load %arg4[%swap3A, %swap3A_6] : memref<400x128xf32, #tpu.memory_space<vmem>>, vector<400x128xf32>
    tpu.vector_store %arg4[%swap3A, %swap3A_6], %slice3A {strides = array<i32>} : memref<400x128xf32, #tpu.memory_space<vmem>>, vector<400x128xf32>,
    %slice3A_8 = vector.extract_strided_slice %dot_general3A_5 {offsets = [0, 128], sizes = [400, 128], strides = [1, 1]} : vector<400x256xf32> to vector<400x128xf32>
    %get3A_9 = arith.constant 0 : index
    %get3A_10 = arith.constant 0 : index
    %get3A_11 = vector.load %arg3[%get3A_9, %get3A_10] : memref<1x128xf32, #tpu.memory_space<vmem>>, vector<1x128xf32>
    %add3A = vector.broadcast %get3A_11 : vector<1x128xf32> to vector<400x128xf32>
    %add3A_12 = arith.addf %slice3A_8, %add3A : vector<400x128xf32>
    %logistic3A = arith.negf %add3A_12 : vector<400x128xf32>
    %logistic3A_13 = math.exp %logistic3A : vector<400x128xf32>
    %logistic3A_14 = arith.constant 1.000000e+00 : f32
    %logistic3A_15 = vector.broadcast %logistic3A_14 : f32 to vector<400x128xf32>
    %logistic3A_16 = arith.addf %logistic3A_15, %logistic3A_13 : vector<400x128xf32>
    %logistic3A_17 = arith.divf %logistic3A_15, %logistic3A_16 : vector<400x128xf32>
    %swap3A_18 = arith.constant 0 : index
    %swap3A_19 = arith.constant 0 : index
    %swap3A_20 = vector.load %arg5[%swap3A_18, %swap3A_19] : memref<400x128xf32, #tpu.memory_space<vmem>>, vector<400x128xf32>
    tpu.vector_store %arg5[%swap3A_18, %swap3A_19], %logistic3A_17 {strides = array<i32>} : memref<400x128xf32, #tpu.memory_space<vmem>>, vector<400x128xf32>,
    return
  }
  func.func @transform_0(%arg0: i32) -> (i32, i32) {
    %c0_i32 = arith.constant 0 : i32
    %c0_i32_0 = arith.constant 0 : i32
    return %arg0, %c0_i32 : i32, i32
  }
  func.func @transform_1(%arg0: i32) -> (i32, i32) {
    %c0_i32 = arith.constant 0 : i32
    %c0_i32_0 = arith.constant 0 : i32
    %c0_i32_1 = arith.constant 0 : i32
    return %c0_i32, %c0_i32_0 : i32, i32
  }
  func.func @transform_2(%arg0: i32) -> (i32, i32) {
    %c0_i32 = arith.constant 0 : i32
    %c0_i32_0 = arith.constant 0 : i32
    %c0_i32_1 = arith.constant 0 : i32
    return %c0_i32, %c0_i32_0 : i32, i32
  }
  func.func @transform_3(%arg0: i32) -> (i32, i32) {
    %c0_i32 = arith.constant 0 : i32
    %c0_i32_0 = arith.constant 0 : i32
    return %arg0, %c0_i32 : i32, i32
  }
  func.func @transform_4(%arg0: i32) -> (i32, i32) {
    %c0_i32 = arith.constant 0 : i32
    %c0_i32_0 = arith.constant 0 : i32
    return %arg0, %c0_i32 : i32, i32
  }
}

module attributes {stable_mosaic.version = 14 : i64} {
  func.func @_combine_mm_body(%arg0: i32, %arg1: memref<2x400x128xf32, #tpu.memory_space<vmem>>, %arg2: memref<400x128xf32, #tpu.memory_space<vmem>>, %arg3: memref<400x128xf32, #tpu.memory_space<vmem>>, %arg4: memref<1x128xf32, #tpu.memory_space<vmem>>, %arg5: memref<128x256xf32, #tpu.memory_space<vmem>>, %arg6: memref<1x128xf32, #tpu.memory_space<vmem>>, %arg7: memref<400x128xf32, #tpu.memory_space<vmem>>, %arg8: memref<400x128xf32, #tpu.memory_space<vmem>>) attributes {dimension_semantics = [#tpu.dimension_semantics<arbitrary>], iteration_bounds = array<i64: 25>, scalar_prefetch = 0 : i64, scratch_operands = 0 : i64, tpu.core_type = #tpu.core_type<tc>, window_params = [{transform_indices = @transform_0, window_bounds = array<i64: 2, 400, 128>}, {transform_indices = @transform_1, window_bounds = array<i64: 400, 128>}, {transform_indices = @transform_2, window_bounds = array<i64: 400, 128>}, {pipeline_mode = #tpu.pipeline_mode<synchronous>, transform_indices = @transform_3, window_bounds = array<i64: 1, 128>}, {pipeline_mode = #tpu.pipeline_mode<synchronous>, transform_indices = @transform_4, window_bounds = array<i64: 128, 256>}, {pipeline_mode = #tpu.pipeline_mode<synchronous>, transform_indices = @transform_5, window_bounds = array<i64: 1, 128>}, {transform_indices = @transform_6, window_bounds = array<i64: 400, 128>}, {transform_indices = @transform_7, window_bounds = array<i64: 400, 128>}]} {
    %get3A = arith.constant 0 : index
    %get3A_0 = arith.constant 0 : index
    %get3A_1 = arith.constant 0 : index
    %get3A_2 = vector.load %arg1[%get3A, %get3A_0, %get3A_1] : memref<2x400x128xf32, #tpu.memory_space<vmem>>, vector<1x400x128xf32>
    %get3A_3 = vector.shape_cast %get3A_2 : vector<1x400x128xf32> to vector<400x128xf32>
    %get3A_4 = arith.constant 1 : index
    %get3A_5 = arith.constant 0 : index
    %get3A_6 = arith.constant 0 : index
    %get3A_7 = vector.load %arg1[%get3A_4, %get3A_5, %get3A_6] : memref<2x400x128xf32, #tpu.memory_space<vmem>>, vector<1x400x128xf32>
    %get3A_8 = vector.shape_cast %get3A_7 : vector<1x400x128xf32> to vector<400x128xf32>
    %add3A = arith.addf %get3A_3, %get3A_8 : vector<400x128xf32>
    %get3A_9 = arith.constant 0 : index
    %get3A_10 = arith.constant 0 : index
    %get3A_11 = vector.load %arg4[%get3A_9, %get3A_10] : memref<1x128xf32, #tpu.memory_space<vmem>>, vector<1x128xf32>
    %add3A_12 = vector.broadcast %get3A_11 : vector<1x128xf32> to vector<400x128xf32>
    %add3A_13 = arith.addf %add3A, %add3A_12 : vector<400x128xf32>
    %get3A_14 = arith.constant 0 : index
    %get3A_15 = arith.constant 0 : index
    %get3A_16 = vector.load %arg2[%get3A_14, %get3A_15] : memref<400x128xf32, #tpu.memory_space<vmem>>, vector<400x128xf32>
    %mul3A = arith.mulf %get3A_16, %add3A_13 : vector<400x128xf32>
    %sub3A = arith.constant 1.000000e+00 : f32
    %sub3A_17 = vector.broadcast %sub3A : f32 to vector<400x128xf32>
    %sub3A_18 = arith.subf %sub3A_17, %get3A_16 : vector<400x128xf32>
    %get3A_19 = arith.constant 0 : index
    %get3A_20 = arith.constant 0 : index
    %get3A_21 = vector.load %arg3[%get3A_19, %get3A_20] : memref<400x128xf32, #tpu.memory_space<vmem>>, vector<400x128xf32>
    %mul3A_22 = arith.mulf %sub3A_18, %get3A_21 : vector<400x128xf32>
    %add3A_23 = arith.addf %mul3A, %mul3A_22 : vector<400x128xf32>
    %get3A_24 = arith.constant 0 : index
    %get3A_25 = arith.constant 0 : index
    %get3A_26 = vector.load %arg5[%get3A_24, %get3A_25] : memref<128x256xf32, #tpu.memory_space<vmem>>, vector<128x256xf32>
    %dot_general3A = arith.constant dense<0.000000e+00> : vector<400x256xf32>
    %dot_general3A_27 = tpu.matmul %add3A_23, %get3A_26, %dot_general3A {dimension_numbers = #tpu.dot_dimension_numbers<[1], [0], [0], [1], [0, 0, 1, 1], [], []>, transpose_lhs_hint = false} : vector<400x128xf32>, vector<128x256xf32>, vector<400x256xf32> -> vector<400x256xf32>
    %slice3A = vector.extract_strided_slice %dot_general3A_27 {offsets = [0, 0], sizes = [400, 128], strides = [1, 1]} : vector<400x256xf32> to vector<400x128xf32>
    %swap3A = arith.constant 0 : index
    %swap3A_28 = arith.constant 0 : index
    %swap3A_29 = vector.load %arg7[%swap3A, %swap3A_28] : memref<400x128xf32, #tpu.memory_space<vmem>>, vector<400x128xf32>
    tpu.vector_store %arg7[%swap3A, %swap3A_28], %slice3A {strides = array<i32>} : memref<400x128xf32, #tpu.memory_space<vmem>>, vector<400x128xf32>,
    %slice3A_30 = vector.extract_strided_slice %dot_general3A_27 {offsets = [0, 128], sizes = [400, 128], strides = [1, 1]} : vector<400x256xf32> to vector<400x128xf32>
    %get3A_31 = arith.constant 0 : index
    %get3A_32 = arith.constant 0 : index
    %get3A_33 = vector.load %arg6[%get3A_31, %get3A_32] : memref<1x128xf32, #tpu.memory_space<vmem>>, vector<1x128xf32>
    %add3A_34 = vector.broadcast %get3A_33 : vector<1x128xf32> to vector<400x128xf32>
    %add3A_35 = arith.addf %slice3A_30, %add3A_34 : vector<400x128xf32>
    %logistic3A = arith.negf %add3A_35 : vector<400x128xf32>
    %logistic3A_36 = math.exp %logistic3A : vector<400x128xf32>
    %logistic3A_37 = arith.constant 1.000000e+00 : f32
    %logistic3A_38 = vector.broadcast %logistic3A_37 : f32 to vector<400x128xf32>
    %logistic3A_39 = arith.addf %logistic3A_38, %logistic3A_36 : vector<400x128xf32>
    %logistic3A_40 = arith.divf %logistic3A_38, %logistic3A_39 : vector<400x128xf32>
    %swap3A_41 = arith.constant 0 : index
    %swap3A_42 = arith.constant 0 : index
    %swap3A_43 = vector.load %arg8[%swap3A_41, %swap3A_42] : memref<400x128xf32, #tpu.memory_space<vmem>>, vector<400x128xf32>
    tpu.vector_store %arg8[%swap3A_41, %swap3A_42], %logistic3A_40 {strides = array<i32>} : memref<400x128xf32, #tpu.memory_space<vmem>>, vector<400x128xf32>,
    return
  }
  func.func @transform_0(%arg0: i32) -> (i32, i32, i32) {
    %c0_i32 = arith.constant 0 : i32
    %c0_i32_0 = arith.constant 0 : i32
    %c0_i32_1 = arith.constant 0 : i32
    return %c0_i32, %arg0, %c0_i32_0 : i32, i32, i32
  }
  func.func @transform_1(%arg0: i32) -> (i32, i32) {
    %c0_i32 = arith.constant 0 : i32
    %c0_i32_0 = arith.constant 0 : i32
    return %arg0, %c0_i32 : i32, i32
  }
  func.func @transform_2(%arg0: i32) -> (i32, i32) {
    %c0_i32 = arith.constant 0 : i32
    %c0_i32_0 = arith.constant 0 : i32
    return %arg0, %c0_i32 : i32, i32
  }
  func.func @transform_3(%arg0: i32) -> (i32, i32) {
    %c0_i32 = arith.constant 0 : i32
    %c0_i32_0 = arith.constant 0 : i32
    %c0_i32_1 = arith.constant 0 : i32
    return %c0_i32, %c0_i32_0 : i32, i32
  }
  func.func @transform_4(%arg0: i32) -> (i32, i32) {
    %c0_i32 = arith.constant 0 : i32
    %c0_i32_0 = arith.constant 0 : i32
    %c0_i32_1 = arith.constant 0 : i32
    return %c0_i32, %c0_i32_0 : i32, i32
  }
  func.func @transform_5(%arg0: i32) -> (i32, i32) {
    %c0_i32 = arith.constant 0 : i32
    %c0_i32_0 = arith.constant 0 : i32
    %c0_i32_1 = arith.constant 0 : i32
    return %c0_i32, %c0_i32_0 : i32, i32
  }
  func.func @transform_6(%arg0: i32) -> (i32, i32) {
    %c0_i32 = arith.constant 0 : i32
    %c0_i32_0 = arith.constant 0 : i32
    return %arg0, %c0_i32 : i32, i32
  }
  func.func @transform_7(%arg0: i32) -> (i32, i32) {
    %c0_i32 = arith.constant 0 : i32
    %c0_i32_0 = arith.constant 0 : i32
    return %arg0, %c0_i32 : i32, i32
  }
}

module attributes {stable_mosaic.version = 14 : i64} {
  func.func @_combine_final_body(%arg0: i32, %arg1: memref<2x400x128xf32, #tpu.memory_space<vmem>>, %arg2: memref<400x128xf32, #tpu.memory_space<vmem>>, %arg3: memref<400x128xf32, #tpu.memory_space<vmem>>, %arg4: memref<1x128xf32, #tpu.memory_space<vmem>>, %arg5: memref<400x128xf32, #tpu.memory_space<vmem>>) attributes {dimension_semantics = [#tpu.dimension_semantics<arbitrary>], iteration_bounds = array<i64: 25>, scalar_prefetch = 0 : i64, scratch_operands = 0 : i64, tpu.core_type = #tpu.core_type<tc>, window_params = [{transform_indices = @transform_0, window_bounds = array<i64: 2, 400, 128>}, {transform_indices = @transform_1, window_bounds = array<i64: 400, 128>}, {transform_indices = @transform_2, window_bounds = array<i64: 400, 128>}, {pipeline_mode = #tpu.pipeline_mode<synchronous>, transform_indices = @transform_3, window_bounds = array<i64: 1, 128>}, {transform_indices = @transform_4, window_bounds = array<i64: 400, 128>}]} {
    %get3A = arith.constant 0 : index
    %get3A_0 = arith.constant 0 : index
    %get3A_1 = arith.constant 0 : index
    %get3A_2 = vector.load %arg1[%get3A, %get3A_0, %get3A_1] : memref<2x400x128xf32, #tpu.memory_space<vmem>>, vector<1x400x128xf32>
    %get3A_3 = vector.shape_cast %get3A_2 : vector<1x400x128xf32> to vector<400x128xf32>
    %get3A_4 = arith.constant 1 : index
    %get3A_5 = arith.constant 0 : index
    %get3A_6 = arith.constant 0 : index
    %get3A_7 = vector.load %arg1[%get3A_4, %get3A_5, %get3A_6] : memref<2x400x128xf32, #tpu.memory_space<vmem>>, vector<1x400x128xf32>
    %get3A_8 = vector.shape_cast %get3A_7 : vector<1x400x128xf32> to vector<400x128xf32>
    %add3A = arith.addf %get3A_3, %get3A_8 : vector<400x128xf32>
    %get3A_9 = arith.constant 0 : index
    %get3A_10 = arith.constant 0 : index
    %get3A_11 = vector.load %arg4[%get3A_9, %get3A_10] : memref<1x128xf32, #tpu.memory_space<vmem>>, vector<1x128xf32>
    %add3A_12 = vector.broadcast %get3A_11 : vector<1x128xf32> to vector<400x128xf32>
    %add3A_13 = arith.addf %add3A, %add3A_12 : vector<400x128xf32>
    %get3A_14 = arith.constant 0 : index
    %get3A_15 = arith.constant 0 : index
    %get3A_16 = vector.load %arg2[%get3A_14, %get3A_15] : memref<400x128xf32, #tpu.memory_space<vmem>>, vector<400x128xf32>
    %mul3A = arith.mulf %get3A_16, %add3A_13 : vector<400x128xf32>
    %sub3A = arith.constant 1.000000e+00 : f32
    %sub3A_17 = vector.broadcast %sub3A : f32 to vector<400x128xf32>
    %sub3A_18 = arith.subf %sub3A_17, %get3A_16 : vector<400x128xf32>
    %get3A_19 = arith.constant 0 : index
    %get3A_20 = arith.constant 0 : index
    %get3A_21 = vector.load %arg3[%get3A_19, %get3A_20] : memref<400x128xf32, #tpu.memory_space<vmem>>, vector<400x128xf32>
    %mul3A_22 = arith.mulf %sub3A_18, %get3A_21 : vector<400x128xf32>
    %add3A_23 = arith.addf %mul3A, %mul3A_22 : vector<400x128xf32>
    %swap3A = arith.constant 0 : index
    %swap3A_24 = arith.constant 0 : index
    %swap3A_25 = vector.load %arg5[%swap3A, %swap3A_24] : memref<400x128xf32, #tpu.memory_space<vmem>>, vector<400x128xf32>
    tpu.vector_store %arg5[%swap3A, %swap3A_24], %add3A_23 {strides = array<i32>} : memref<400x128xf32, #tpu.memory_space<vmem>>, vector<400x128xf32>,
    return
  }
  func.func @transform_0(%arg0: i32) -> (i32, i32, i32) {
    %c0_i32 = arith.constant 0 : i32
    %c0_i32_0 = arith.constant 0 : i32
    %c0_i32_1 = arith.constant 0 : i32
    return %c0_i32, %arg0, %c0_i32_0 : i32, i32, i32
  }
  func.func @transform_1(%arg0: i32) -> (i32, i32) {
    %c0_i32 = arith.constant 0 : i32
    %c0_i32_0 = arith.constant 0 : i32
    return %arg0, %c0_i32 : i32, i32
  }
  func.func @transform_2(%arg0: i32) -> (i32, i32) {
    %c0_i32 = arith.constant 0 : i32
    %c0_i32_0 = arith.constant 0 : i32
    return %arg0, %c0_i32 : i32, i32
  }
  func.func @transform_3(%arg0: i32) -> (i32, i32) {
    %c0_i32 = arith.constant 0 : i32
    %c0_i32_0 = arith.constant 0 : i32
    %c0_i32_1 = arith.constant 0 : i32
    return %c0_i32, %c0_i32_0 : i32, i32
  }
  func.func @transform_4(%arg0: i32) -> (i32, i32) {
    %c0_i32 = arith.constant 0 : i32
    %c0_i32_0 = arith.constant 0 : i32
    return %arg0, %c0_i32 : i32, i32
  }
}

</mosaic_0001>

<sc_bundles>
// kernel: kernel.10.cloned.1.call-start
scs
__scs_entry_jumppad:
0x0: {  	(pc) =	sbr.rel $0x88, $3  }
0x1: {  	(tag) =	ssettag $0x0;
	lr =	simm.s32 $0x1  }
0x2: {  	[smem:$0x3F96] =	sst lr;
	_ =	strace $0xD0000000  }
0x3: {  	_ = 	snop  }
0x4: {  	_ = 	snop  }
0x5: {  	_ = 	snop  }
0x6: {  	_ = 	snop  }
0x7: {  	_ = 	snop  }
__scs_overlays_trampoline_lowered:
0x8: {  	[smem:$0x3FA5] =	sst s0  }
0x9: {  	[smem:$0x3FA6] =	sst s1  }
0xa: {  	[smem:$0x3FA7] =	sst s2  }
0xb: {  	[smem:$0x3FA8] =	sst s3  }
0xc: {  	[smem:$0x3FA9] =	sst s4  }
0xd: {  	[smem:$0x3FAA] =	sst s5  }
0xe: {  	[smem:$0x3FAB] =	sst s6  }
0xf: {  	[smem:$0x3FAC] =	sst s7  }
0x10: {  	[smem:$0x3FAD] =	sst s8  }
0x11: {  	[smem:$0x3FAE] =	sst s9;
	s0 =	simm.s32 @!p0 $0x0  }
0x12: {  	s1 =	sld [smem:$0x3F94];
	s0 =	simm.s32 @p0 $0x1  }
0x13: {  	[smem:$0x3FAF] =	sst s0;
	s0 =	simm.s32 @!p1 $0x0  }
0x14: {  	s2 =	sld [smem:$0x3F93];
	s0 =	simm.s32 @p1 $0x1  }
0x15: {  	[smem:$0x3FB0] =	sst s0;
	s0 =	simm.s32 @!p2 $0x0  }
0x16: {  	s3 =	sld [smem:$0x3FDB];
	s0 =	simm.s32 @p2 $0x1  }
0x17: {  	s4 =	simm.s32 $0x1BF5;
	[smem:$0x3FB2] =	sst s0  }
0x18: {  	s0 =	sld [smem:$0x3F95];
	_ =	swait.ge [sflag:s4], $0x0  }
0x19: {  	s7 =	sld [smem:$0x3F96]  }
0x1a: {  	s8 =	sadd.s32 $0xFFFFE003, lr  }
0x1b: {  	s9 =	sadd.s32 $0xFFFFFEF7, lr;
	s5 =	simm.s32 $0xFFFFFFFF;
	p2 =	slt.u32 s8, $0xFFFFF086  }
0x1c: {  	p1 =	slt.u32 s9, $0xF7A;
	s5 =	simm.s32 @!p2 $0x0  }
0x1d: {  	s5 =	simm.s32 @p1 $0x1;
	p0 =	seq.s32 s7, s2  }
0x1e: {  	s7 =	smul.u32 @!p0 $0xF7A, s2;
	p2 =	seq.s32 @!p0 s5, $0x0  }
0x1f: {  	s9 =	smul.u32 $0xF7A, s1;
	s8 =	simm.s32 @!p0 $0x1BF5;
	p2 =	por !p2, p0  }
0x20: {  	[sflag:s8] =	ssyncset.s32 @!p0 $0xFFFFF086;
	s6 =	sadd.s32 @!p0 s3, s7;
	s7 =	simm.s32 @!p0 $0x108  }
0x21: {  	s3 =	sadd.s32 s3, s9;
	s6 =	sadd.s32 @!p0 $0x88, s6;
	s7 =	simm.s32 @p2 $0x1082  }
0x22: {  	[simem:s7], [sflag:s8] =	dma.local @!p0 [hbm:s6], $0xF7A  }
0x23: {  	s9 =	sor.u32 $0xD0000000, s2;
	s6 =	simm.s32 $0x108;
	_ =	swait.ge @!p0 [sflag:s8], $0x0  }
0x24: {  	s3 =	sadd.s32 $0x88, s3;
	s6 =	simm.s32 @!p1 $0x1082;
	[sflag:s4] =	ssyncset.s32 $0xFFFFF086  }
0x25: {  	[simem:s6], [sflag:s4] =	dma.local [hbm:s3], $0xF7A  }
0x26: {  	[smem:$0x3F96] =	sst s1;
	(tag) =	ssettag s2;
	_ =	strace s9  }
0x27: {  	s1 =	sld [smem:$0x3FA6]  }
0x28: {  	s2 =	sld [smem:$0x3FA7]  }
0x29: {  	s4 =	sld [smem:$0x3FA9]  }
0x2a: {  	p0 =	seq.s32 s5, $0x0;
	s5 =	sld [smem:$0x3FAA]  }
0x2b: {  	s6 =	sld [smem:$0x3FAB]  }
0x2c: {  	s7 =	sld [smem:$0x3FAC]  }
0x2d: {  	s3 =	simm.s32 $0x108;
	s8 =	sld [smem:$0x3FAD]  }
0x2e: {  	s3 =	simm.s32 @!p0 $0x1082;
	s9 =	sld [smem:$0x3FAE]  }
0x2f: {  	lr =	sadd.s32 s0, s3;
	s0 =	sld [smem:$0x3FA5]  }
0x30: {  	s3 =	sld [smem:$0x3FA8]  }
0x31: {  	[smem:$0x3FB1] =	sst s10  }
0x32: {  	s10 =	sld [smem:$0x3FAF];
	_ =	sdelay $0x3  }
0x33: {  	p0 =	seq.s32 s10, $0x1;
	s10 =	sld [smem:$0x3FB1];
	_ =	sdelay $0x3  }
0x34: {  	[smem:$0x3FB1] =	sst s10  }
0x35: {  	s10 =	sld [smem:$0x3FB0];
	_ =	sdelay $0x3  }
0x36: {  	p1 =	seq.s32 s10, $0x1;
	s10 =	sld [smem:$0x3FB1];
	_ =	sdelay $0x3  }
0x37: {  	[smem:$0x3FB1] =	sst s10  }
0x38: {  	s10 =	sld [smem:$0x3FB2]  }
0x39: {  	_ = 	snop;
	(pc) =	sbr.ind lr, $3  }
0x3a: {  	_ = 	snop  }
0x3b: {  	_ = 	snop  }
0x3c: {  	p2 =	seq.s32 s10, $0x1;
	s10 =	sld [smem:$0x3FB1]  }
0x3d: {  	_ =	shalt  }
0x3e: {  	_ =	shalt  }
0x3f: {  	_ =	shalt  }
0x40: {  	_ =	shalt  }
0x41: {  	_ =	shalt  }
0x42: {  	_ =	shalt  }
0x43: {  	_ =	shalt  }
0x44: {  	_ =	shalt  }
0x45: {  	_ =	shalt  }
0x46: {  	_ =	shalt  }
0x47: {  	_ =	shalt  }
0x48: {  	_ =	shalt  }
0x49: {  	_ =	shalt  }
0x4a: {  	_ =	shalt  }
0x4b: {  	_ =	shalt  }
0x4c: {  	_ =	shalt  }
0x4d: {  	_ =	shalt  }
0x4e: {  	_ =	shalt  }
0x4f: {  	_ =	shalt  }
0x50: {  	_ =	shalt  }
0x51: {  	_ =	shalt  }
0x52: {  	_ =	shalt  }
0x53: {  	_ =	shalt  }
0x54: {  	_ =	shalt  }
0x55: {  	_ =	shalt  }
0x56: {  	_ =	shalt  }
0x57: {  	_ =	shalt  }
0x58: {  	_ =	shalt  }
0x59: {  	_ =	shalt  }
0x5a: {  	_ =	shalt  }
0x5b: {  	_ =	shalt  }
0x5c: {  	_ =	shalt  }
0x5d: {  	_ =	shalt  }
0x5e: {  	_ =	shalt  }
0x5f: {  	_ =	shalt  }
0x60: {  	_ =	shalt  }
0x61: {  	_ =	shalt  }
0x62: {  	_ =	shalt  }
0x63: {  	_ =	shalt  }
0x64: {  	_ =	shalt  }
0x65: {  	_ =	shalt  }
0x66: {  	_ =	shalt  }
0x67: {  	_ =	shalt  }
0x68: {  	_ =	shalt  }
0x69: {  	_ =	shalt  }
0x6a: {  	_ =	shalt  }
0x6b: {  	_ =	shalt  }
0x6c: {  	_ =	shalt  }
0x6d: {  	_ =	shalt  }
0x6e: {  	_ =	shalt  }
0x6f: {  	_ =	shalt  }
0x70: {  	_ =	shalt  }
0x71: {  	_ =	shalt  }
0x72: {  	_ =	shalt  }
0x73: {  	_ =	shalt  }
0x74: {  	_ =	shalt  }
0x75: {  	_ =	shalt  }
0x76: {  	_ =	shalt  }
0x77: {  	_ =	shalt  }
0x78: {  	_ =	shalt  }
0x79: {  	_ =	shalt  }
0x7a: {  	_ =	shalt  }
0x7b: {  	_ =	shalt  }
0x7c: {  	_ =	shalt  }
0x7d: {  	_ =	shalt  }
0x7e: {  	_ =	shalt  }
0x7f: {  	_ =	shalt  }
0x80: {  	_ =	shalt  }
0x81: {  	_ =	shalt  }
0x82: {  	_ =	shalt  }
0x83: {  	_ =	shalt  }
0x84: {  	_ =	shalt  }
0x85: {  	_ =	shalt  }
0x86: {  	_ =	shalt  }
0x87: {  	_ =	shalt  }
.Lfunc_end0:
.L_simem_size_0:
called_computation.1_lowered:
.L_overlay_start_0:
0x88: {  	s2 =	sld [smem:$0x3FD9]  }
0x89: {  	s3 =	sld [smem:$0x3FFE];
	_ =	sdelay $0x1  }
0x8a: {  	s1 =	srdreg.scid  }
0x8b: {  	s0 =	sand.u32 $0x1, s1  }
0x8c: {  	s17 =	sshll.u32 s0, $0xA;
	s2 =	sadd.s32 s3, s2  }
0x8d: {  	s2 =	sadd.s32 s2, s17  }
0x8e: {  	[smem:$0x3FBD] =	sst s2  }
0x8f: {  	_ = 	snop  }
0x90: {  	s2 =	sld [smem:$0x3FD0];
	(tm) =	ssettm $0x1  }
0x91: {  	s18 =	sld [smem:$0x3FFB];
	_ =	sdelay $0x3  }
0x92: {  	_ =	strace s18  }
0x93: {  	s3 =	sld [smem:$0x3FFC];
	_ =	sdelay $0x3  }
0x94: {  	_ =	strace s3  }
0x95: {  	s3 =	sld [smem:$0x3FFD];
	_ =	sdelay $0x3  }
0x96: {  	_ =	strace s3  }
0x97: {  	_ =	strace $0x8FFFFFFF  }
0x98: {  	s19 =	sld [smem:$0x3FDB];
	_ =	sdelay $0x1  }
0x99: {  	s4 =	simm.s32 $_scs_section_size  }
0x9a: {  	s5 =	simm.s32 $_size__tile_overlayer_lowered;
	s6 =	simm.s32 $_tile_overlayer_lowered  }
0x9b: {  	s22 =	simm.s32 $0x1BFF;
	s21 =	sshll.u32 s6, $0x1;
	s3 =	sadd.s32 s4, s19  }
0x9c: {  	s7 =	simm.s32 $0x0;
	s20 =	sshll.u32 s5, $0x1;
	s5 =	sadd.s32 s21, s3  }
0x9d: {  	[timem:s7], [sflag:s22] =	dma.local [hbm:s5], s20  }
0x9e: {  	_ =	swait.ge [sflag:s22], s20  }
0x9f: {  	s4 =	ssub.s32 $0x0, s20;
	[sflag:s22] =	ssyncset.done $0x0  }
0xa0: {  	[sflag:s22] =	ssyncadd.s32 s4;
	_ =	sdelay $0x1  }
0xa1: {  	s23 =	simm.s32 $0x1B8B  }
0xa2: {  	_ =	swait.ge [sflag:s23], $0x1  }
0xa3: {  	[sflag:s23] =	ssyncset.done $0x0  }
0xa4: {  	s25 =	simm.s32 $0x1B8E;
	s24 =	sld [smem:$0x3FFE];
	[sflag:s23] =	ssyncadd.s32 $0xFFFFFFFF  }
0xa5: {  	s26 =	simm.s32 $execute0_lowered;
	[smem:$0x3FD2] =	sst s25  }
0xa6: {  	s5 =	sshll.u32 s26, $0x1;
	_ =	strace $0x80000049;
	[dreg:$0x1] =	wrdreg $0xFFFFFFFF  }
0xa7: {  	s28 =	simm.s32 $_size_execute0_lowered;
	s3 =	sadd.s32 s3, s5;
	[dreg:$0x0] =	wrdreg $0x0  }
0xa8: {  	s5 =	sshll.u32 s28, $0x1;
	[dreg:$0x2] =	wrdreg s3  }
0xa9: {  	[dreg:$0x3] =	wrdreg s5  }
0xaa: {  	[dreg:$0x4] =	wrdreg $0xC0  }
0xab: {  	_ =	task [dreg:s7], $0x5FFFF  }
0xac: {  	[dreg:$0x1] =	wrdreg $0xFFFFFFFF  }
0xad: {  	[dreg:$0x0] =	wrdreg $0x60  }
0xae: {  	[dreg:$0x2] =	wrdreg s2  }
0xaf: {  	[dreg:$0x3] =	wrdreg s24  }
0xb0: {  	[dreg:$0x4] =	wrdreg $0x84000  }
0xb1: {  	[dreg:$0x5] =	wrdreg $0x9  }
0xb2: {  	_ =	task.clear_ibuf [dreg:s7], $0x6FFFF;
	_ =	strace $0x90000049  }
0xb3: {  	s29 =	simm.s32 $0x9;
	_ =	strace $0x8000004B  }
0xb4: {  	_ =	swait.ge [sflag:s29], $0x1  }
0xb5: {  	[sflag:s29] =	ssyncadd.s32 $0xFFFFFFFF  }
0xb6: {  	_ =	strace $0x9000004B  }
0xb7: {  	_ =	sfence  }
0xb8: {  	s30 =	sld [smem:$0x0];
	_ =	sdelay $0x2  }
0xb9: {  	s31 =	sshll.u32 s1, $0xD;
	s1 =	sshrl.u32 s1, $0x2  }
0xba: {  	s3 =	sand.u32 $0x4000, s31;
	s1 =	sadd.s32 s1, s30  }
0xbb: {  	s0 =	sor.u32 s3, s0;
	s1 =	sshll.u32 s1, $0x11  }
0xbc: {  	s0 =	sor.u32 s1, s0  }
0xbd: {  	s0 =	sadd.s32 $0x8F2B, s0  }
0xbe: {  	[sflag:s0] =	ssyncadd.remote.s32 $0x1  }
0xbf: {  	_ =	sfence.sel $0xFFFF  }
0xc0: {  	[dreg:$0x0] =	wrdreg $0xFFFFFFFF;
	(pc) =	sbr.abs _section_cstart, $3  }
0xc1: {  	[dreg:$0x1] =	wrdreg $0xFFFFFFFF  }
0xc2: {  	_ =	task.clear_ibuf [dreg:s7], $0x2FFFF;
	_ =	strace $0x9FFFFFFF  }
0xc3: {  	(tm) =	ssettm $0x7FFFFFFF  }
tec
execute0_lowered:
.L_overlay_start_1:
0x0: {  	(tag) =	ssettag $0x1  }
0x1: {  	s0 =	rddreg [dreg:$0x0]  }
0x2: {  	s1 =	rddreg [dreg:$0x1]  }
0x3: {  	s2 =	srdreg.scid;
	s3 =	rddreg [dreg:$0x2]  }
0x4: {  	s11 =	stileid.u32;
	s4 =	simm.s32 $0x0;
	s28 =	simm.s32 $0x80  }
0x5: {  	s29 =	simm.s32 $0x280;
	s30 =	simm.s32 $0x1;
	s6 =	smul.u32 $0x14000, s11  }
0x6: {  	s31 =	simm.s32 $0x5;
	s2 =	sand.u32 $0x1, s2;
	s7 =	smul.u32 $0x50000, s11  }
0x7: {  	[smem:$0x7FF] =	sst s4;
	s8 =	sadd.s32 $0x65A00, s1;
	s14 =	smul.u32 $0x2800, s11  }
0x8: {  	s5 =	smul.u32 $0x140000, s2;
	_ =	strace $0x8000004A;
	s25 =	sshll.u32 s2, $0x4  }
0x9: {  	s9 =	ssub.s32 $0x2, s2;
	s2 =	smul.u32 $0x28000, s2;
	s7 =	sshrl.u32 s7, $0x2  }
0xa: {  	s10 =	sshrl.u32 s9, $0x1;
	s5 =	sadd.s32 s6, s5;
	s6 =	sadd.s32 $0x6FA00, s1  }
0xb: {  	s12 =	sadd.s32 s7, s3;
	s26 =	ssub.s32 s9, s10;
	s2 =	sadd.s32 s14, s2  }
0xc: {  	s9 =	simm.s32 $0x100;
	s14 =	simm.s32 $0x180;
	s5 =	sshrl.u32 s5, $0x3  }
0xd: {  	s10 =	sadd.s32 $0x4000, s12;
	s13 =	sadd.s32 $0x8000, s12;
	[dreg:$0x4] =	wrdreg s12  }
0xe: {  	s15 =	sadd.s32 $0xC000, s12;
	s16 =	sadd.s32 $0x10000, s12;
	[dreg:$0x5] =	wrdreg s10  }
0xf: {  	s20 =	sor.u32 $0x280, s2;
	s22 =	sor.u32 $0x200, s2;
	[dreg:$0x6] =	wrdreg s13  }
0x10: {  	s7 =	smax.u32 s26, $0x1;
	s12 =	simm.s32 $0x7;
	[dreg:$0x7] =	wrdreg s15  }
0x11: {  	s1 =	sadd.s32 s5, s1;
	s5 =	sor.u32 s11, s25;
	[dreg:$0x8] =	wrdreg s16  }
0x12: {  	s21 =	sshrl.u32 s20, $0x3;
	[dreg:$0xe] =	wrdreg s7;
	s25 =	sor.u32 $0x180, s2  }
0x13: {  	s2 =	sor.u32 $0x100, s2;
	s7 =	simm.s32 $0x9;
	s10 =	simm.s32 $0x300  }
0x14: {  	s11 =	simm.s32 $0x3;
	s13 =	simm.s32 $0xA;
	s15 =	simm.s32 $0x380  }
0x15: {  	s16 =	simm.s32 $0x8;
	s5 =	smul.u32 $0x2800, s5;
	s1 =	sadd.s32 $0x1A00, s1  }
0x16: {  	s23 =	sadd.s32 s21, s8;
	s26 =	sshrl.u32 s2, $0x3;
	[dreg:$0xd] =	wrdreg s1  }
0x17: {  	s2 =	simm.s32 $0x6;
	[dreg:$0xf] =	wrdreg s23;
	s1 =	sadd.s32 s21, s6  }
0x18: {  	s23 =	sadd.s32 s26, s6;
	s5 =	sshrl.u32 s5, $0x3;
	[dreg:$0x10] =	wrdreg s1  }
0x19: {  	s1 =	sshrl.u32 s25, $0x3;
	s25 =	simm.s32 $0xB;
	s17 =	sadd.s32 s6, s5  }
0x1a: {  	s18 =	sadd.s32 s8, s5;
	s5 =	sor.u32 $0x10, s5;
	s20 =	sadd.s32 s1, s8  }
0x1b: {  	s21 =	sadd.s32 s1, s6;
	s1 =	simm.s32 $0x2;
	[dreg:$0x9] =	wrdreg s17  }
0x1c: {  	[dreg:$0xa] =	wrdreg s18;
	s19 =	sadd.s32 s6, s5;
	s5 =	sadd.s32 s8, s5  }
.Ltmp0:
0x1d: {  	s18 =	simm.s32 $0x0;
	[dreg:$0xb] =	wrdreg s19;
	(pc) =	sbr.rel .LBB2_1-.Ltmp0, $4  }
0x1e: {  	[dreg:$0xc] =	wrdreg s5;
	s5 =	sshrl.u32 s22, $0x3;
	s22 =	sadd.s32 s26, s8  }
0x1f: {  	s26 =	simm.s32 $0x200;
	s24 =	sadd.s32 s5, s8;
	s19 =	sadd.s32 s5, s6  }
0x20: {  	s6 =	simm.s32 $0x4400;
	s8 =	simm.s32 $0x10;
	[dreg:$0x11] =	wrdreg s24  }
0x21: {  	v0 =	vimm.f32 $0.0e+00;
	s5 =	simm.s32 $0x4;
	s24 =	simm.s32 $0x400;
	[dreg:$0x14] =	wrdreg s19  }
.LBB2_6:
0x22: {  	_ =	swait.ge [sflag:s13], $0x4000  }
0x23: {  	[sflag:s13] =	ssyncset.done $0x0  }
0x24: {  	[sflag:s13] =	ssyncadd.s32 $0xFFFFC000  }
0x25: {  	[spmem:s3] =	stream.indirect.scatter.add.f32 [tilespmem:s6], [sflag:$0xB], $0x80, s15, s8, $0xb8;
	[tilespmem:$0x1C400] =	vst v63  }
0x26: {  	_ =	swait.ge [sflag:s25], $0x800  }
0x27: {  	s17 =	stileid.u32;
	[sflag:s25] =	ssyncset.done $0x0  }
0x28: {  	s17 =	sshll.u32 s17, $0x6;
	[sflag:s25] =	ssyncadd.s32 $0xFFFFF800  }
0x29: {  	s17 =	sor.u32 $0x1C0B, s17;
	[bflag:$0x0] =	sbarrier.arrive $0xFFFF  }
0x2a: {  	[dreg:$0x13] =	wrdreg s17  }
0x2b: {  	s18 =	rddreg [dreg:$0x4]  }
0x2c: {  	s17 =	rddreg [dreg:$0xd]  }
0x2d: {  	s18 =	sshrl.u32 s18, $0x3;
	s19 =	rddreg [dreg:$0x13]  }
0x2e: {  	[hbm:s17], [sflag:s19] =	dma.local [spmem:s18], $0x2800  }
0x2f: {  	s19 =	rddreg [dreg:$0x14];
	_ =	swait.ge [sflag:s25], $0x2800  }
0x30: {  	s17 =	rddreg [dreg:$0x12]  }
0x31: {  	s18 =	sadd.s32 $0x1, s17;
	s17 =	rddreg [dreg:$0xe]  }
0x32: {  	p0 =	sne.s32 s18, s17  }
.Ltmp1:
0x33: {  	_ = 	snop;
	(pc) =	sbr.rel @!p0 .LBB2_7-.Ltmp1, $3  }
0x34: {  	_ =	sdelay $0x1  }
0x35: {  	[sflag:s25] =	ssyncset.done $0x0  }
0x36: {  	[sflag:s25] =	ssyncadd.s32 $0xFFFFD800  }
.LBB2_1:
0x37: {  	[dreg:$0x12] =	wrdreg s18;
	s17 =	simm.s32 $0x0;
	s18 =	simm.s32 $0x200  }
.LBB2_2:
0x38: {  	p0 =	sne.s32 s18, $0xFE00;
	[tilespmem:s17+$0x470] =	vst v0  }
0x39: {  	[tilespmem:s17+$0x400] =	vst v0  }
0x3a: {  	[tilespmem:s17+$0x410] =	vst v0  }
.Ltmp2:
0x3b: {  	[tilespmem:s17+$0x420] =	vst v0;
	(pc) =	sbr.rel @p0 .LBB2_2-.Ltmp2, $4  }
0x3c: {  	[tilespmem:s17+$0x430] =	vst v0  }
0x3d: {  	[tilespmem:s17+$0x440] =	vst v0  }
0x3e: {  	[tilespmem:s17+$0x450] =	vst v0  }
0x3f: {  	[tilespmem:s17+$0x460] =	vst v0;
	s17 =	sshra.s32 s18, $0x2;
	s18 =	sadd.s32 $0x200, s18  }
0x40: {  	[tilespmem:s17+$0x470] =	vst v0  }
0x41: {  	[tilespmem:s17+$0x400] =	vst v0  }
0x42: {  	[tilespmem:s17+$0x410] =	vst v0  }
0x43: {  	[tilespmem:s17+$0x420] =	vst v0  }
0x44: {  	[tilespmem:s17+$0x430] =	vst v0  }
0x45: {  	[tilespmem:s17+$0x440] =	vst v0  }
0x46: {  	[tilespmem:s17+$0x450] =	vst v0  }
0x47: {  	[tilespmem:s17+$0x460] =	vst v0;
	s18 =	rddreg [dreg:$0x4]  }
0x48: {  	[spmem:s18] =	stream.linear.scatter [tilespmem:s24], [sflag:$0xB], $0x4000, $0x38;
	[tilespmem:$0x1C400] =	vst v63  }
0x49: {  	_ =	swait.ge [sflag:s25], $0x4000  }
0x4a: {  	[sflag:s25] =	ssyncset.done $0x0  }
0x4b: {  	s18 =	rddreg [dreg:$0x5];
	[sflag:s25] =	ssyncadd.s32 $0xFFFFC000  }
0x4c: {  	[spmem:s18] =	stream.linear.scatter [tilespmem:s24], [sflag:$0xB], $0x4000, $0x38;
	[tilespmem:$0x1C400] =	vst v63  }
0x4d: {  	_ =	swait.ge [sflag:s25], $0x4000  }
0x4e: {  	[sflag:s25] =	ssyncset.done $0x0  }
0x4f: {  	s18 =	rddreg [dreg:$0x6];
	[sflag:s25] =	ssyncadd.s32 $0xFFFFC000  }
0x50: {  	[spmem:s18] =	stream.linear.scatter [tilespmem:s24], [sflag:$0xB], $0x4000, $0x38;
	[tilespmem:$0x1C400] =	vst v63  }
0x51: {  	_ =	swait.ge [sflag:s25], $0x4000  }
0x52: {  	[sflag:s25] =	ssyncset.done $0x0  }
0x53: {  	s18 =	rddreg [dreg:$0x7];
	[sflag:s25] =	ssyncadd.s32 $0xFFFFC000  }
0x54: {  	[spmem:s18] =	stream.linear.scatter [tilespmem:s24], [sflag:$0xB], $0x4000, $0x38;
	[tilespmem:$0x1C400] =	vst v63  }
0x55: {  	_ =	swait.ge [sflag:s25], $0x4000  }
0x56: {  	[sflag:s25] =	ssyncset.done $0x0  }
0x57: {  	s18 =	rddreg [dreg:$0x8];
	[sflag:s25] =	ssyncadd.s32 $0xFFFFC000  }
0x58: {  	[spmem:s18] =	stream.linear.scatter [tilespmem:s24], [sflag:$0xB], $0x4000, $0x38;
	[tilespmem:$0x1C400] =	vst v63  }
0x59: {  	_ =	swait.ge [sflag:s25], $0x4000  }
0x5a: {  	[sflag:s25] =	ssyncset.done $0x0  }
0x5b: {  	[sflag:s25] =	ssyncadd.s32 $0xFFFFC000  }
0x5c: {  	[bflag:$0x0] =	sbarrier.arrive $0xFFFF  }
0x5d: {  	s17 =	simm.s32 $0x0;
	s18 =	rddreg [dreg:$0x9]  }
0x5e: {  	[tilespmem:s17], [sflag:$0x1] =	stream.linear.gather [hbm4b:s18+s17], $0x80, $0x38;
	[tilespmem:$0x1C400] =	vst v63  }
0x5f: {  	s18 =	rddreg [dreg:$0xa]  }
0x60: {  	[tilespmem:s26], [sflag:$0x5] =	stream.linear.gather [hbm4b:s18+s17], $0x80, $0x38;
	[tilespmem:$0x1C400] =	vst v63  }
0x61: {  	s18 =	rddreg [dreg:$0xb]  }
0x62: {  	[tilespmem:s28], [sflag:$0x2] =	stream.linear.gather [hbm4b:s18+s17], $0x80, $0x38;
	[tilespmem:$0x1C400] =	vst v63  }
0x63: {  	s18 =	rddreg [dreg:$0xc]  }
0x64: {  	[tilespmem:s29], [sflag:$0x6] =	stream.linear.gather [hbm4b:s18+s17], $0x80, $0x38;
	[tilespmem:$0x1C400] =	vst v63  }
0x65: {  	_ =	swait.ge [sflag:s30], $0x80  }
0x66: {  	[sflag:s30] =	ssyncset.done $0x0  }
0x67: {  	[sflag:s30] =	ssyncadd.s32 $0xFFFFFF80  }
0x68: {  	_ =	swait.ge [sflag:s31], $0x80  }
0x69: {  	[sflag:s31] =	ssyncset.done $0x0  }
0x6a: {  	[sflag:s31] =	ssyncadd.s32 $0xFFFFFF80  }
0x6b: {  	[tilespmem:s24], [sflag:$0x9] =	stream.indirect.gather [hbm4b:s0+s28], $0x80, s17, s28, $0xb8;
	[tilespmem:$0x1C400] =	vst v63  }
.LBB2_4:
0x6c: {  	_ =	swait.ge [sflag:s1], $0x80  }
0x6d: {  	[sflag:s1] =	ssyncset.done $0x0  }
0x6e: {  	[sflag:s1] =	ssyncadd.s32 $0xFFFFFF80  }
0x6f: {  	_ =	swait.ge [sflag:s2], $0x80  }
0x70: {  	[sflag:s2] =	ssyncset.done $0x0  }
0x71: {  	[sflag:s2] =	ssyncadd.s32 $0xFFFFFF80  }
0x72: {  	[tilespmem:s6], [sflag:$0xA] =	stream.indirect.gather [hbm4b:s0+s28], $0x80, s28, s28, $0xb8;
	[tilespmem:$0x1C400] =	vst v63  }
0x73: {  	_ =	swait.ge [sflag:s7], $0x4000  }
0x74: {  	[sflag:s7] =	ssyncset.done $0x0  }
0x75: {  	[sflag:s7] =	ssyncadd.s32 $0xFFFFC000  }
0x76: {  	[spmem:s3] =	stream.indirect.scatter.add.f32 [tilespmem:s24], [sflag:$0xB], $0x80, s26, s8, $0xb8;
	[tilespmem:$0x1C400] =	vst v63  }
0x77: {  	_ =	swait.ge [sflag:s25], $0x800  }
0x78: {  	[sflag:s25] =	ssyncset.done $0x0  }
0x79: {  	s18 =	sadd.s32 s17, s23;
	[sflag:s25] =	ssyncadd.s32 $0xFFFFF800  }
0x7a: {  	[tilespmem:s9], [sflag:$0x3] =	stream.linear.gather [hbm4b:s18+s4], $0x80, $0x38;
	[tilespmem:$0x1C400] =	vst v63  }
0x7b: {  	s18 =	sadd.s32 s17, s22  }
0x7c: {  	[tilespmem:s10], [sflag:$0x7] =	stream.linear.gather [hbm4b:s18+s4], $0x80, $0x38;
	[tilespmem:$0x1C400] =	vst v63  }
0x7d: {  	_ =	swait.ge [sflag:s11], $0x80  }
0x7e: {  	[sflag:s11] =	ssyncset.done $0x0  }
0x7f: {  	[sflag:s11] =	ssyncadd.s32 $0xFFFFFF80  }
0x80: {  	_ =	swait.ge [sflag:s12], $0x80  }
0x81: {  	[sflag:s12] =	ssyncset.done $0x0  }
0x82: {  	[sflag:s12] =	ssyncadd.s32 $0xFFFFFF80  }
0x83: {  	[tilespmem:s24], [sflag:$0x9] =	stream.indirect.gather [hbm4b:s0+s28], $0x80, s9, s28, $0xb8;
	[tilespmem:$0x1C400] =	vst v63  }
0x84: {  	_ =	swait.ge [sflag:s13], $0x4000  }
0x85: {  	[sflag:s13] =	ssyncset.done $0x0  }
0x86: {  	[sflag:s13] =	ssyncadd.s32 $0xFFFFC000  }
0x87: {  	[spmem:s3] =	stream.indirect.scatter.add.f32 [tilespmem:s6], [sflag:$0xB], $0x80, s29, s8, $0xb8;
	[tilespmem:$0x1C400] =	vst v63  }
0x88: {  	_ =	swait.ge [sflag:s25], $0x800  }
0x89: {  	[sflag:s25] =	ssyncset.done $0x0  }
0x8a: {  	s18 =	sadd.s32 s17, s21;
	[sflag:s25] =	ssyncadd.s32 $0xFFFFF800  }
0x8b: {  	[tilespmem:s14], [sflag:$0x4] =	stream.linear.gather [hbm4b:s18+s4], $0x80, $0x38;
	[tilespmem:$0x1C400] =	vst v63  }
0x8c: {  	s18 =	sadd.s32 s17, s20  }
0x8d: {  	[tilespmem:s15], [sflag:$0x8] =	stream.linear.gather [hbm4b:s18+s4], $0x80, $0x38;
	[tilespmem:$0x1C400] =	vst v63  }
0x8e: {  	_ =	swait.ge [sflag:s5], $0x80  }
0x8f: {  	[sflag:s5] =	ssyncset.done $0x0  }
0x90: {  	[sflag:s5] =	ssyncadd.s32 $0xFFFFFF80  }
0x91: {  	_ =	swait.ge [sflag:s16], $0x80  }
0x92: {  	[sflag:s16] =	ssyncset.done $0x0  }
0x93: {  	[sflag:s16] =	ssyncadd.s32 $0xFFFFFF80  }
0x94: {  	[tilespmem:s6], [sflag:$0xA] =	stream.indirect.gather [hbm4b:s0+s28], $0x80, s14, s28, $0xb8;
	[tilespmem:$0x1C400] =	vst v63  }
0x95: {  	_ =	swait.ge [sflag:s7], $0x4000  }
0x96: {  	p0 =	seq.s32 s17, $0x4C0;
	[sflag:s7] =	ssyncset.done $0x0  }
.Ltmp3:
0x97: {  	[sflag:s7] =	ssyncadd.s32 $0xFFFFC000;
	(pc) =	sbr.rel @p0 .LBB2_6-.Ltmp3, $4  }
0x98: {  	[spmem:s3] =	stream.indirect.scatter.add.f32 [tilespmem:s24], [sflag:$0xB], $0x80, s10, s8, $0xb8;
	[tilespmem:$0x1C400] =	vst v63  }
0x99: {  	_ =	swait.ge [sflag:s25], $0x800  }
0x9a: {  	[sflag:s25] =	ssyncset.done $0x0  }
0x9b: {  	[sflag:s25] =	ssyncadd.s32 $0xFFFFF800  }
0x9c: {  	s18 =	sadd.s32 s17, s19  }
0x9d: {  	[tilespmem:s4], [sflag:$0x1] =	stream.linear.gather [hbm4b:s18+s4], $0x80, $0x38;
	[tilespmem:$0x1C400] =	vst v63  }
0x9e: {  	s18 =	rddreg [dreg:$0x11]  }
0x9f: {  	s18 =	sadd.s32 s17, s18  }
0xa0: {  	[tilespmem:s26], [sflag:$0x5] =	stream.linear.gather [hbm4b:s18+s4], $0x80, $0x38;
	[tilespmem:$0x1C400] =	vst v63  }
0xa1: {  	_ =	swait.ge [sflag:s30], $0x80  }
0xa2: {  	[sflag:s30] =	ssyncset.done $0x0  }
0xa3: {  	[sflag:s30] =	ssyncadd.s32 $0xFFFFFF80  }
0xa4: {  	_ =	swait.ge [sflag:s31], $0x80  }
0xa5: {  	[sflag:s31] =	ssyncset.done $0x0  }
0xa6: {  	[sflag:s31] =	ssyncadd.s32 $0xFFFFFF80  }
0xa7: {  	[tilespmem:s24], [sflag:$0x9] =	stream.indirect.gather [hbm4b:s0+s28], $0x80, s4, s28, $0xb8;
	[tilespmem:$0x1C400] =	vst v63  }
0xa8: {  	_ =	swait.ge [sflag:s13], $0x4000  }
0xa9: {  	[sflag:s13] =	ssyncset.done $0x0  }
0xaa: {  	[sflag:s13] =	ssyncadd.s32 $0xFFFFC000  }
0xab: {  	[spmem:s3] =	stream.indirect.scatter.add.f32 [tilespmem:s6], [sflag:$0xB], $0x80, s15, s8, $0xb8;
	[tilespmem:$0x1C400] =	vst v63  }
0xac: {  	_ =	swait.ge [sflag:s25], $0x800  }
0xad: {  	[sflag:s25] =	ssyncset.done $0x0;
	s18 =	rddreg [dreg:$0x10]  }
.Ltmp4:
0xae: {  	[sflag:s25] =	ssyncadd.s32 $0xFFFFF800;
	s18 =	sadd.s32 s17, s18;
	(pc) =	sbr.rel .LBB2_4-.Ltmp4, $4  }
0xaf: {  	[tilespmem:s28], [sflag:$0x2] =	stream.linear.gather [hbm4b:s18+s4], $0x80, $0x38;
	[tilespmem:$0x1C400] =	vst v63  }
0xb0: {  	s18 =	rddreg [dreg:$0xf]  }
0xb1: {  	s18 =	sadd.s32 s17, s18;
	s17 =	sadd.s32 $0x40, s17  }
0xb2: {  	[tilespmem:s29], [sflag:$0x6] =	stream.linear.gather [hbm4b:s18+s4], $0x80, $0x38;
	[tilespmem:$0x1C400] =	vst v63  }
.LBB2_7:
0xb3: {  	_ =	sfence.sel $0x180000  }
0xb4: {  	[bflag:$0x0] =	sbarrier.arrive $0xFFFF  }
0xb5: {  	_ =	strace $0x9000004A  }
0xb6: {  	s0 =	stileid.u32;
	[bflag:$0x2] =	sbarrier.arrive $0xFFFF  }
0xb7: {  	p0 =	sne.s32 s0, $0x0;
	s0 =	rddreg [dreg:$0x3]  }
0xb8: {  	s0 =	sadd.s32 @!p0 $0x100000, s0  }
0xb9: {  	[sflag:s0] =	ssyncadd.tile.s32 @!p0 $0x1;
	_ =	shalt  }
.Lfunc_end2:
_tile_overlayer_lowered:
.L_overlay_start_2:
0xba: {  	(tag) =	ssettag $0x2  }
0xbb: {  	s0 =	rddreg [dreg:$0x0];
	s2 =	stileid.u32  }
0xbc: {  	s1 =	rddreg [dreg:$0x1];
	p0 =	sne.s32 s2, $0x0  }
0xbd: {  	s3 =	rddreg [dreg:$0x2];
	[bflag:$0x3] =	sbarrier.arrive $0xFFFF;
	s2 =	simm.s32 @!p0 $0x1C0B  }
0xbe: {  	[timem:s3], [sflag:s2] =	dma.local @!p0 [hbm:s0], s1  }
0xbf: {  	s0 =	simm.s32 @!p0 $0xB  }
0xc0: {  	_ =	swait.ge @!p0 [sflag:s0], s1  }
0xc1: {  	s1 =	ssub.s32 @!p0 $0x0, s1;
	[sflag:s0] =	ssyncset.done @!p0 $0x0  }
0xc2: {  	[sflag:s0] =	ssyncadd.s32 @!p0 s1  }
0xc3: {  	[bflag:$0x3] =	sbarrier.arrive $0xFFFF  }
0xc4: {  	_ =	shalt  }

// kernel: kernel.7.cloned.1.call-start
scs
__scs_entry_jumppad:
0x0: {  	(pc) =	sbr.rel $0x88, $3  }
0x1: {  	(tag) =	ssettag $0x0;
	lr =	simm.s32 $0x1  }
0x2: {  	[smem:$0x3F96] =	sst lr;
	_ =	strace $0xD0000000  }
0x3: {  	_ = 	snop  }
0x4: {  	_ = 	snop  }
0x5: {  	_ = 	snop  }
0x6: {  	_ = 	snop  }
0x7: {  	_ = 	snop  }
__scs_overlays_trampoline_lowered:
0x8: {  	[smem:$0x3FA5] =	sst s0  }
0x9: {  	[smem:$0x3FA6] =	sst s1  }
0xa: {  	[smem:$0x3FA7] =	sst s2  }
0xb: {  	[smem:$0x3FA8] =	sst s3  }
0xc: {  	[smem:$0x3FA9] =	sst s4  }
0xd: {  	[smem:$0x3FAA] =	sst s5  }
0xe: {  	[smem:$0x3FAB] =	sst s6  }
0xf: {  	[smem:$0x3FAC] =	sst s7  }
0x10: {  	[smem:$0x3FAD] =	sst s8  }
0x11: {  	[smem:$0x3FAE] =	sst s9;
	s0 =	simm.s32 @!p0 $0x0  }
0x12: {  	s1 =	sld [smem:$0x3F94];
	s0 =	simm.s32 @p0 $0x1  }
0x13: {  	[smem:$0x3FAF] =	sst s0;
	s0 =	simm.s32 @!p1 $0x0  }
0x14: {  	s2 =	sld [smem:$0x3F93];
	s0 =	simm.s32 @p1 $0x1  }
0x15: {  	[smem:$0x3FB0] =	sst s0;
	s0 =	simm.s32 @!p2 $0x0  }
0x16: {  	s3 =	sld [smem:$0x3FDB];
	s0 =	simm.s32 @p2 $0x1  }
0x17: {  	s4 =	simm.s32 $0x1BF5;
	[smem:$0x3FB2] =	sst s0  }
0x18: {  	s0 =	sld [smem:$0x3F95];
	_ =	swait.ge [sflag:s4], $0x0  }
0x19: {  	s7 =	sld [smem:$0x3F96]  }
0x1a: {  	s8 =	sadd.s32 $0xFFFFE003, lr  }
0x1b: {  	s9 =	sadd.s32 $0xFFFFFEF7, lr;
	s5 =	simm.s32 $0xFFFFFFFF;
	p2 =	slt.u32 s8, $0xFFFFF086  }
0x1c: {  	p1 =	slt.u32 s9, $0xF7A;
	s5 =	simm.s32 @!p2 $0x0  }
0x1d: {  	s5 =	simm.s32 @p1 $0x1;
	p0 =	seq.s32 s7, s2  }
0x1e: {  	s7 =	smul.u32 @!p0 $0xF7A, s2;
	p2 =	seq.s32 @!p0 s5, $0x0  }
0x1f: {  	s9 =	smul.u32 $0xF7A, s1;
	s8 =	simm.s32 @!p0 $0x1BF5;
	p2 =	por !p2, p0  }
0x20: {  	[sflag:s8] =	ssyncset.s32 @!p0 $0xFFFFF086;
	s6 =	sadd.s32 @!p0 s3, s7;
	s7 =	simm.s32 @!p0 $0x108  }
0x21: {  	s3 =	sadd.s32 s3, s9;
	s6 =	sadd.s32 @!p0 $0x88, s6;
	s7 =	simm.s32 @p2 $0x1082  }
0x22: {  	[simem:s7], [sflag:s8] =	dma.local @!p0 [hbm:s6], $0xF7A  }
0x23: {  	s9 =	sor.u32 $0xD0000000, s2;
	s6 =	simm.s32 $0x108;
	_ =	swait.ge @!p0 [sflag:s8], $0x0  }
0x24: {  	s3 =	sadd.s32 $0x88, s3;
	s6 =	simm.s32 @!p1 $0x1082;
	[sflag:s4] =	ssyncset.s32 $0xFFFFF086  }
0x25: {  	[simem:s6], [sflag:s4] =	dma.local [hbm:s3], $0xF7A  }
0x26: {  	[smem:$0x3F96] =	sst s1;
	(tag) =	ssettag s2;
	_ =	strace s9  }
0x27: {  	s1 =	sld [smem:$0x3FA6]  }
0x28: {  	s2 =	sld [smem:$0x3FA7]  }
0x29: {  	s4 =	sld [smem:$0x3FA9]  }
0x2a: {  	p0 =	seq.s32 s5, $0x0;
	s5 =	sld [smem:$0x3FAA]  }
0x2b: {  	s6 =	sld [smem:$0x3FAB]  }
0x2c: {  	s7 =	sld [smem:$0x3FAC]  }
0x2d: {  	s3 =	simm.s32 $0x108;
	s8 =	sld [smem:$0x3FAD]  }
0x2e: {  	s3 =	simm.s32 @!p0 $0x1082;
	s9 =	sld [smem:$0x3FAE]  }
0x2f: {  	lr =	sadd.s32 s0, s3;
	s0 =	sld [smem:$0x3FA5]  }
0x30: {  	s3 =	sld [smem:$0x3FA8]  }
0x31: {  	[smem:$0x3FB1] =	sst s10  }
0x32: {  	s10 =	sld [smem:$0x3FAF];
	_ =	sdelay $0x3  }
0x33: {  	p0 =	seq.s32 s10, $0x1;
	s10 =	sld [smem:$0x3FB1];
	_ =	sdelay $0x3  }
0x34: {  	[smem:$0x3FB1] =	sst s10  }
0x35: {  	s10 =	sld [smem:$0x3FB0];
	_ =	sdelay $0x3  }
0x36: {  	p1 =	seq.s32 s10, $0x1;
	s10 =	sld [smem:$0x3FB1];
	_ =	sdelay $0x3  }
0x37: {  	[smem:$0x3FB1] =	sst s10  }
0x38: {  	s10 =	sld [smem:$0x3FB2]  }
0x39: {  	_ = 	snop;
	(pc) =	sbr.ind lr, $3  }
0x3a: {  	_ = 	snop  }
0x3b: {  	_ = 	snop  }
0x3c: {  	p2 =	seq.s32 s10, $0x1;
	s10 =	sld [smem:$0x3FB1]  }
0x3d: {  	_ =	shalt  }
0x3e: {  	_ =	shalt  }
0x3f: {  	_ =	shalt  }
0x40: {  	_ =	shalt  }
0x41: {  	_ =	shalt  }
0x42: {  	_ =	shalt  }
0x43: {  	_ =	shalt  }
0x44: {  	_ =	shalt  }
0x45: {  	_ =	shalt  }
0x46: {  	_ =	shalt  }
0x47: {  	_ =	shalt  }
0x48: {  	_ =	shalt  }
0x49: {  	_ =	shalt  }
0x4a: {  	_ =	shalt  }
0x4b: {  	_ =	shalt  }
0x4c: {  	_ =	shalt  }
0x4d: {  	_ =	shalt  }
0x4e: {  	_ =	shalt  }
0x4f: {  	_ =	shalt  }
0x50: {  	_ =	shalt  }
0x51: {  	_ =	shalt  }
0x52: {  	_ =	shalt  }
0x53: {  	_ =	shalt  }
0x54: {  	_ =	shalt  }
0x55: {  	_ =	shalt  }
0x56: {  	_ =	shalt  }
0x57: {  	_ =	shalt  }
0x58: {  	_ =	shalt  }
0x59: {  	_ =	shalt  }
0x5a: {  	_ =	shalt  }
0x5b: {  	_ =	shalt  }
0x5c: {  	_ =	shalt  }
0x5d: {  	_ =	shalt  }
0x5e: {  	_ =	shalt  }
0x5f: {  	_ =	shalt  }
0x60: {  	_ =	shalt  }
0x61: {  	_ =	shalt  }
0x62: {  	_ =	shalt  }
0x63: {  	_ =	shalt  }
0x64: {  	_ =	shalt  }
0x65: {  	_ =	shalt  }
0x66: {  	_ =	shalt  }
0x67: {  	_ =	shalt  }
0x68: {  	_ =	shalt  }
0x69: {  	_ =	shalt  }
0x6a: {  	_ =	shalt  }
0x6b: {  	_ =	shalt  }
0x6c: {  	_ =	shalt  }
0x6d: {  	_ =	shalt  }
0x6e: {  	_ =	shalt  }
0x6f: {  	_ =	shalt  }
0x70: {  	_ =	shalt  }
0x71: {  	_ =	shalt  }
0x72: {  	_ =	shalt  }
0x73: {  	_ =	shalt  }
0x74: {  	_ =	shalt  }
0x75: {  	_ =	shalt  }
0x76: {  	_ =	shalt  }
0x77: {  	_ =	shalt  }
0x78: {  	_ =	shalt  }
0x79: {  	_ =	shalt  }
0x7a: {  	_ =	shalt  }
0x7b: {  	_ =	shalt  }
0x7c: {  	_ =	shalt  }
0x7d: {  	_ =	shalt  }
0x7e: {  	_ =	shalt  }
0x7f: {  	_ =	shalt  }
0x80: {  	_ =	shalt  }
0x81: {  	_ =	shalt  }
0x82: {  	_ =	shalt  }
0x83: {  	_ =	shalt  }
0x84: {  	_ =	shalt  }
0x85: {  	_ =	shalt  }
0x86: {  	_ =	shalt  }
0x87: {  	_ =	shalt  }
.Lfunc_end0:
.L_simem_size_0:
called_computation_lowered:
.L_overlay_start_0:
0x88: {  	s2 =	sld [smem:$0x3FD9]  }
0x89: {  	s3 =	sld [smem:$0x3FFE];
	_ =	sdelay $0x1  }
0x8a: {  	s1 =	srdreg.scid  }
0x8b: {  	s0 =	sand.u32 $0x1, s1  }
0x8c: {  	s17 =	sshll.u32 s0, $0xA;
	s2 =	sadd.s32 s3, s2  }
0x8d: {  	s2 =	sadd.s32 s2, s17  }
0x8e: {  	[smem:$0x3FBD] =	sst s2  }
0x8f: {  	_ = 	snop  }
0x90: {  	s2 =	sld [smem:$0x3FD0];
	(tm) =	ssettm $0x1  }
0x91: {  	s18 =	sld [smem:$0x3FFB];
	_ =	sdelay $0x3  }
0x92: {  	_ =	strace s18  }
0x93: {  	s3 =	sld [smem:$0x3FFC];
	_ =	sdelay $0x3  }
0x94: {  	_ =	strace s3  }
0x95: {  	s3 =	sld [smem:$0x3FFD];
	_ =	sdelay $0x3  }
0x96: {  	_ =	strace s3  }
0x97: {  	_ =	strace $0x8FFFFFFF  }
0x98: {  	s19 =	sld [smem:$0x3FDB];
	_ =	sdelay $0x1  }
0x99: {  	s4 =	simm.s32 $_scs_section_size  }
0x9a: {  	s5 =	simm.s32 $_size__tile_overlayer_lowered;
	s6 =	simm.s32 $_tile_overlayer_lowered  }
0x9b: {  	s22 =	simm.s32 $0x1BFF;
	s21 =	sshll.u32 s6, $0x1;
	s3 =	sadd.s32 s4, s19  }
0x9c: {  	s7 =	simm.s32 $0x0;
	s20 =	sshll.u32 s5, $0x1;
	s5 =	sadd.s32 s21, s3  }
0x9d: {  	[timem:s7], [sflag:s22] =	dma.local [hbm:s5], s20  }
0x9e: {  	_ =	swait.ge [sflag:s22], s20  }
0x9f: {  	s4 =	ssub.s32 $0x0, s20;
	[sflag:s22] =	ssyncset.done $0x0  }
0xa0: {  	[sflag:s22] =	ssyncadd.s32 s4;
	_ =	sdelay $0x1  }
0xa1: {  	s23 =	simm.s32 $0x1B8B  }
0xa2: {  	_ =	swait.ge [sflag:s23], $0x1  }
0xa3: {  	[sflag:s23] =	ssyncset.done $0x0  }
0xa4: {  	s25 =	simm.s32 $0x1B8E;
	s24 =	sld [smem:$0x3FFE];
	[sflag:s23] =	ssyncadd.s32 $0xFFFFFFFF  }
0xa5: {  	s26 =	simm.s32 $execute0_lowered;
	[smem:$0x3FD2] =	sst s25  }
0xa6: {  	s5 =	sshll.u32 s26, $0x1;
	_ =	strace $0x80000046;
	[dreg:$0x1] =	wrdreg $0xFFFFFFFF  }
0xa7: {  	s28 =	simm.s32 $_size_execute0_lowered;
	s3 =	sadd.s32 s3, s5;
	[dreg:$0x0] =	wrdreg $0x0  }
0xa8: {  	s5 =	sshll.u32 s28, $0x1;
	[dreg:$0x2] =	wrdreg s3  }
0xa9: {  	[dreg:$0x3] =	wrdreg s5  }
0xaa: {  	[dreg:$0x4] =	wrdreg $0xC0  }
0xab: {  	_ =	task [dreg:s7], $0x5FFFF  }
0xac: {  	[dreg:$0x1] =	wrdreg $0xFFFFFFFF  }
0xad: {  	[dreg:$0x0] =	wrdreg $0x60  }
0xae: {  	[dreg:$0x2] =	wrdreg s2  }
0xaf: {  	[dreg:$0x3] =	wrdreg s24  }
0xb0: {  	[dreg:$0x4] =	wrdreg $0x84000  }
0xb1: {  	[dreg:$0x5] =	wrdreg $0x9  }
0xb2: {  	_ =	task.clear_ibuf [dreg:s7], $0x6FFFF;
	_ =	strace $0x90000046  }
0xb3: {  	s29 =	simm.s32 $0x9;
	_ =	strace $0x80000048  }
0xb4: {  	_ =	swait.ge [sflag:s29], $0x1  }
0xb5: {  	[sflag:s29] =	ssyncadd.s32 $0xFFFFFFFF  }
0xb6: {  	_ =	strace $0x90000048  }
0xb7: {  	_ =	sfence  }
0xb8: {  	s30 =	sld [smem:$0x0];
	_ =	sdelay $0x2  }
0xb9: {  	s31 =	sshll.u32 s1, $0xD;
	s1 =	sshrl.u32 s1, $0x2  }
0xba: {  	s3 =	sand.u32 $0x4000, s31;
	s1 =	sadd.s32 s1, s30  }
0xbb: {  	s0 =	sor.u32 s3, s0;
	s1 =	sshll.u32 s1, $0x11  }
0xbc: {  	s0 =	sor.u32 s1, s0  }
0xbd: {  	s0 =	sadd.s32 $0x8F2B, s0  }
0xbe: {  	[sflag:s0] =	ssyncadd.remote.s32 $0x1  }
0xbf: {  	_ =	sfence.sel $0xFFFF  }
0xc0: {  	[dreg:$0x0] =	wrdreg $0xFFFFFFFF;
	(pc) =	sbr.abs _section_cstart, $3  }
0xc1: {  	[dreg:$0x1] =	wrdreg $0xFFFFFFFF  }
0xc2: {  	_ =	task.clear_ibuf [dreg:s7], $0x2FFFF;
	_ =	strace $0x9FFFFFFF  }
0xc3: {  	(tm) =	ssettm $0x7FFFFFFF  }
tec
execute0_lowered:
.L_overlay_start_1:
0x0: {  	(tag) =	ssettag $0x1  }
0x1: {  	s0 =	rddreg [dreg:$0x0]  }
0x2: {  	s1 =	rddreg [dreg:$0x1]  }
0x3: {  	s2 =	srdreg.scid;
	s3 =	rddreg [dreg:$0x2]  }
0x4: {  	s11 =	stileid.u32;
	s4 =	simm.s32 $0x0;
	s28 =	simm.s32 $0x80  }
0x5: {  	s29 =	simm.s32 $0x280;
	s30 =	simm.s32 $0x1;
	s6 =	smul.u32 $0x14000, s11  }
0x6: {  	s31 =	simm.s32 $0x5;
	s2 =	sand.u32 $0x1, s2;
	s7 =	smul.u32 $0x50000, s11  }
0x7: {  	[smem:$0x7FF] =	sst s4;
	s8 =	sadd.s32 $0xBA00, s1;
	s14 =	smul.u32 $0x2800, s11  }
0x8: {  	s5 =	smul.u32 $0x140000, s2;
	_ =	strace $0x80000047;
	s25 =	sshll.u32 s2, $0x4  }
0x9: {  	s9 =	ssub.s32 $0x2, s2;
	s2 =	smul.u32 $0x28000, s2;
	s7 =	sshrl.u32 s7, $0x2  }
0xa: {  	s10 =	sshrl.u32 s9, $0x1;
	s5 =	sadd.s32 s6, s5;
	s6 =	sadd.s32 $0x1A00, s1  }
0xb: {  	s12 =	sadd.s32 s7, s3;
	s26 =	ssub.s32 s9, s10;
	s2 =	sadd.s32 s14, s2  }
0xc: {  	s9 =	simm.s32 $0x100;
	s14 =	simm.s32 $0x180;
	s5 =	sshrl.u32 s5, $0x3  }
0xd: {  	s10 =	sadd.s32 $0x4000, s12;
	s13 =	sadd.s32 $0x8000, s12;
	[dreg:$0x4] =	wrdreg s12  }
0xe: {  	s15 =	sadd.s32 $0xC000, s12;
	s16 =	sadd.s32 $0x10000, s12;
	[dreg:$0x5] =	wrdreg s10  }
0xf: {  	s20 =	sor.u32 $0x280, s2;
	s22 =	sor.u32 $0x200, s2;
	[dreg:$0x6] =	wrdreg s13  }
0x10: {  	s7 =	smax.u32 s26, $0x1;
	s12 =	simm.s32 $0x7;
	[dreg:$0x7] =	wrdreg s15  }
0x11: {  	s1 =	sadd.s32 s5, s1;
	s5 =	sor.u32 s11, s25;
	[dreg:$0x8] =	wrdreg s16  }
0x12: {  	s21 =	sshrl.u32 s20, $0x3;
	[dreg:$0xe] =	wrdreg s7;
	s25 =	sor.u32 $0x180, s2  }
0x13: {  	s2 =	sor.u32 $0x100, s2;
	s7 =	simm.s32 $0x9;
	s10 =	simm.s32 $0x300  }
0x14: {  	s11 =	simm.s32 $0x3;
	s13 =	simm.s32 $0xA;
	s15 =	simm.s32 $0x380  }
0x15: {  	s16 =	simm.s32 $0x8;
	s5 =	smul.u32 $0x2800, s5;
	s1 =	sadd.s32 $0x15A00, s1  }
0x16: {  	s23 =	sadd.s32 s21, s8;
	s26 =	sshrl.u32 s2, $0x3;
	[dreg:$0xd] =	wrdreg s1  }
0x17: {  	s2 =	simm.s32 $0x6;
	[dreg:$0xf] =	wrdreg s23;
	s1 =	sadd.s32 s21, s6  }
0x18: {  	s23 =	sadd.s32 s26, s6;
	s5 =	sshrl.u32 s5, $0x3;
	[dreg:$0x10] =	wrdreg s1  }
0x19: {  	s1 =	sshrl.u32 s25, $0x3;
	s25 =	simm.s32 $0xB;
	s17 =	sadd.s32 s6, s5  }
0x1a: {  	s18 =	sadd.s32 s8, s5;
	s5 =	sor.u32 $0x10, s5;
	s20 =	sadd.s32 s1, s8  }
0x1b: {  	s21 =	sadd.s32 s1, s6;
	s1 =	simm.s32 $0x2;
	[dreg:$0x9] =	wrdreg s17  }
0x1c: {  	[dreg:$0xa] =	wrdreg s18;
	s19 =	sadd.s32 s6, s5;
	s5 =	sadd.s32 s8, s5  }
.Ltmp0:
0x1d: {  	s18 =	simm.s32 $0x0;
	[dreg:$0xb] =	wrdreg s19;
	(pc) =	sbr.rel .LBB2_1-.Ltmp0, $4  }
0x1e: {  	[dreg:$0xc] =	wrdreg s5;
	s5 =	sshrl.u32 s22, $0x3;
	s22 =	sadd.s32 s26, s8  }
0x1f: {  	s26 =	simm.s32 $0x200;
	s24 =	sadd.s32 s5, s8;
	s19 =	sadd.s32 s5, s6  }
0x20: {  	s6 =	simm.s32 $0x4400;
	s8 =	simm.s32 $0x10;
	[dreg:$0x11] =	wrdreg s24  }
0x21: {  	v0 =	vimm.f32 $0.0e+00;
	s5 =	simm.s32 $0x4;
	s24 =	simm.s32 $0x400;
	[dreg:$0x14] =	wrdreg s19  }
.LBB2_6:
0x22: {  	_ =	swait.ge [sflag:s13], $0x4000  }
0x23: {  	[sflag:s13] =	ssyncset.done $0x0  }
0x24: {  	[sflag:s13] =	ssyncadd.s32 $0xFFFFC000  }
0x25: {  	[spmem:s3] =	stream.indirect.scatter.add.f32 [tilespmem:s6], [sflag:$0xB], $0x80, s15, s8, $0xb8;
	[tilespmem:$0x1C400] =	vst v63  }
0x26: {  	_ =	swait.ge [sflag:s25], $0x800  }
0x27: {  	s17 =	stileid.u32;
	[sflag:s25] =	ssyncset.done $0x0  }
0x28: {  	s17 =	sshll.u32 s17, $0x6;
	[sflag:s25] =	ssyncadd.s32 $0xFFFFF800  }
0x29: {  	s17 =	sor.u32 $0x1C0B, s17;
	[bflag:$0x0] =	sbarrier.arrive $0xFFFF  }
0x2a: {  	[dreg:$0x13] =	wrdreg s17  }
0x2b: {  	s18 =	rddreg [dreg:$0x4]  }
0x2c: {  	s17 =	rddreg [dreg:$0xd]  }
0x2d: {  	s18 =	sshrl.u32 s18, $0x3;
	s19 =	rddreg [dreg:$0x13]  }
0x2e: {  	[hbm:s17], [sflag:s19] =	dma.local [spmem:s18], $0x2800  }
0x2f: {  	s19 =	rddreg [dreg:$0x14];
	_ =	swait.ge [sflag:s25], $0x2800  }
0x30: {  	s17 =	rddreg [dreg:$0x12]  }
0x31: {  	s18 =	sadd.s32 $0x1, s17;
	s17 =	rddreg [dreg:$0xe]  }
0x32: {  	p0 =	sne.s32 s18, s17  }
.Ltmp1:
0x33: {  	_ = 	snop;
	(pc) =	sbr.rel @!p0 .LBB2_7-.Ltmp1, $3  }
0x34: {  	_ =	sdelay $0x1  }
0x35: {  	[sflag:s25] =	ssyncset.done $0x0  }
0x36: {  	[sflag:s25] =	ssyncadd.s32 $0xFFFFD800  }
.LBB2_1:
0x37: {  	[dreg:$0x12] =	wrdreg s18;
	s17 =	simm.s32 $0x0;
	s18 =	simm.s32 $0x200  }
.LBB2_2:
0x38: {  	p0 =	sne.s32 s18, $0xFE00;
	[tilespmem:s17+$0x470] =	vst v0  }
0x39: {  	[tilespmem:s17+$0x400] =	vst v0  }
0x3a: {  	[tilespmem:s17+$0x410] =	vst v0  }
.Ltmp2:
0x3b: {  	[tilespmem:s17+$0x420] =	vst v0;
	(pc) =	sbr.rel @p0 .LBB2_2-.Ltmp2, $4  }
0x3c: {  	[tilespmem:s17+$0x430] =	vst v0  }
0x3d: {  	[tilespmem:s17+$0x440] =	vst v0  }
0x3e: {  	[tilespmem:s17+$0x450] =	vst v0  }
0x3f: {  	[tilespmem:s17+$0x460] =	vst v0;
	s17 =	sshra.s32 s18, $0x2;
	s18 =	sadd.s32 $0x200, s18  }
0x40: {  	[tilespmem:s17+$0x470] =	vst v0  }
0x41: {  	[tilespmem:s17+$0x400] =	vst v0  }
0x42: {  	[tilespmem:s17+$0x410] =	vst v0  }
0x43: {  	[tilespmem:s17+$0x420] =	vst v0  }
0x44: {  	[tilespmem:s17+$0x430] =	vst v0  }
0x45: {  	[tilespmem:s17+$0x440] =	vst v0  }
0x46: {  	[tilespmem:s17+$0x450] =	vst v0  }
0x47: {  	[tilespmem:s17+$0x460] =	vst v0;
	s18 =	rddreg [dreg:$0x4]  }
0x48: {  	[spmem:s18] =	stream.linear.scatter [tilespmem:s24], [sflag:$0xB], $0x4000, $0x38;
	[tilespmem:$0x1C400] =	vst v63  }
0x49: {  	_ =	swait.ge [sflag:s25], $0x4000  }
0x4a: {  	[sflag:s25] =	ssyncset.done $0x0  }
0x4b: {  	s18 =	rddreg [dreg:$0x5];
	[sflag:s25] =	ssyncadd.s32 $0xFFFFC000  }
0x4c: {  	[spmem:s18] =	stream.linear.scatter [tilespmem:s24], [sflag:$0xB], $0x4000, $0x38;
	[tilespmem:$0x1C400] =	vst v63  }
0x4d: {  	_ =	swait.ge [sflag:s25], $0x4000  }
0x4e: {  	[sflag:s25] =	ssyncset.done $0x0  }
0x4f: {  	s18 =	rddreg [dreg:$0x6];
	[sflag:s25] =	ssyncadd.s32 $0xFFFFC000  }
0x50: {  	[spmem:s18] =	stream.linear.scatter [tilespmem:s24], [sflag:$0xB], $0x4000, $0x38;
	[tilespmem:$0x1C400] =	vst v63  }
0x51: {  	_ =	swait.ge [sflag:s25], $0x4000  }
0x52: {  	[sflag:s25] =	ssyncset.done $0x0  }
0x53: {  	s18 =	rddreg [dreg:$0x7];
	[sflag:s25] =	ssyncadd.s32 $0xFFFFC000  }
0x54: {  	[spmem:s18] =	stream.linear.scatter [tilespmem:s24], [sflag:$0xB], $0x4000, $0x38;
	[tilespmem:$0x1C400] =	vst v63  }
0x55: {  	_ =	swait.ge [sflag:s25], $0x4000  }
0x56: {  	[sflag:s25] =	ssyncset.done $0x0  }
0x57: {  	s18 =	rddreg [dreg:$0x8];
	[sflag:s25] =	ssyncadd.s32 $0xFFFFC000  }
0x58: {  	[spmem:s18] =	stream.linear.scatter [tilespmem:s24], [sflag:$0xB], $0x4000, $0x38;
	[tilespmem:$0x1C400] =	vst v63  }
0x59: {  	_ =	swait.ge [sflag:s25], $0x4000  }
0x5a: {  	[sflag:s25] =	ssyncset.done $0x0  }
0x5b: {  	[sflag:s25] =	ssyncadd.s32 $0xFFFFC000  }
0x5c: {  	[bflag:$0x0] =	sbarrier.arrive $0xFFFF  }
0x5d: {  	s17 =	simm.s32 $0x0;
	s18 =	rddreg [dreg:$0x9]  }
0x5e: {  	[tilespmem:s17], [sflag:$0x1] =	stream.linear.gather [hbm4b:s18+s17], $0x80, $0x38;
	[tilespmem:$0x1C400] =	vst v63  }
0x5f: {  	s18 =	rddreg [dreg:$0xa]  }
0x60: {  	[tilespmem:s26], [sflag:$0x5] =	stream.linear.gather [hbm4b:s18+s17], $0x80, $0x38;
	[tilespmem:$0x1C400] =	vst v63  }
0x61: {  	s18 =	rddreg [dreg:$0xb]  }
0x62: {  	[tilespmem:s28], [sflag:$0x2] =	stream.linear.gather [hbm4b:s18+s17], $0x80, $0x38;
	[tilespmem:$0x1C400] =	vst v63  }
0x63: {  	s18 =	rddreg [dreg:$0xc]  }
0x64: {  	[tilespmem:s29], [sflag:$0x6] =	stream.linear.gather [hbm4b:s18+s17], $0x80, $0x38;
	[tilespmem:$0x1C400] =	vst v63  }
0x65: {  	_ =	swait.ge [sflag:s30], $0x80  }
0x66: {  	[sflag:s30] =	ssyncset.done $0x0  }
0x67: {  	[sflag:s30] =	ssyncadd.s32 $0xFFFFFF80  }
0x68: {  	_ =	swait.ge [sflag:s31], $0x80  }
0x69: {  	[sflag:s31] =	ssyncset.done $0x0  }
0x6a: {  	[sflag:s31] =	ssyncadd.s32 $0xFFFFFF80  }
0x6b: {  	[tilespmem:s24], [sflag:$0x9] =	stream.indirect.gather [hbm4b:s0+s28], $0x80, s17, s28, $0xb8;
	[tilespmem:$0x1C400] =	vst v63  }
.LBB2_4:
0x6c: {  	_ =	swait.ge [sflag:s1], $0x80  }
0x6d: {  	[sflag:s1] =	ssyncset.done $0x0  }
0x6e: {  	[sflag:s1] =	ssyncadd.s32 $0xFFFFFF80  }
0x6f: {  	_ =	swait.ge [sflag:s2], $0x80  }
0x70: {  	[sflag:s2] =	ssyncset.done $0x0  }
0x71: {  	[sflag:s2] =	ssyncadd.s32 $0xFFFFFF80  }
0x72: {  	[tilespmem:s6], [sflag:$0xA] =	stream.indirect.gather [hbm4b:s0+s28], $0x80, s28, s28, $0xb8;
	[tilespmem:$0x1C400] =	vst v63  }
0x73: {  	_ =	swait.ge [sflag:s7], $0x4000  }
0x74: {  	[sflag:s7] =	ssyncset.done $0x0  }
0x75: {  	[sflag:s7] =	ssyncadd.s32 $0xFFFFC000  }
0x76: {  	[spmem:s3] =	stream.indirect.scatter.add.f32 [tilespmem:s24], [sflag:$0xB], $0x80, s26, s8, $0xb8;
	[tilespmem:$0x1C400] =	vst v63  }
0x77: {  	_ =	swait.ge [sflag:s25], $0x800  }
0x78: {  	[sflag:s25] =	ssyncset.done $0x0  }
0x79: {  	s18 =	sadd.s32 s17, s23;
	[sflag:s25] =	ssyncadd.s32 $0xFFFFF800  }
0x7a: {  	[tilespmem:s9], [sflag:$0x3] =	stream.linear.gather [hbm4b:s18+s4], $0x80, $0x38;
	[tilespmem:$0x1C400] =	vst v63  }
0x7b: {  	s18 =	sadd.s32 s17, s22  }
0x7c: {  	[tilespmem:s10], [sflag:$0x7] =	stream.linear.gather [hbm4b:s18+s4], $0x80, $0x38;
	[tilespmem:$0x1C400] =	vst v63  }
0x7d: {  	_ =	swait.ge [sflag:s11], $0x80  }
0x7e: {  	[sflag:s11] =	ssyncset.done $0x0  }
0x7f: {  	[sflag:s11] =	ssyncadd.s32 $0xFFFFFF80  }
0x80: {  	_ =	swait.ge [sflag:s12], $0x80  }
0x81: {  	[sflag:s12] =	ssyncset.done $0x0  }
0x82: {  	[sflag:s12] =	ssyncadd.s32 $0xFFFFFF80  }
0x83: {  	[tilespmem:s24], [sflag:$0x9] =	stream.indirect.gather [hbm4b:s0+s28], $0x80, s9, s28, $0xb8;
	[tilespmem:$0x1C400] =	vst v63  }
0x84: {  	_ =	swait.ge [sflag:s13], $0x4000  }
0x85: {  	[sflag:s13] =	ssyncset.done $0x0  }
0x86: {  	[sflag:s13] =	ssyncadd.s32 $0xFFFFC000  }
0x87: {  	[spmem:s3] =	stream.indirect.scatter.add.f32 [tilespmem:s6], [sflag:$0xB], $0x80, s29, s8, $0xb8;
	[tilespmem:$0x1C400] =	vst v63  }
0x88: {  	_ =	swait.ge [sflag:s25], $0x800  }
0x89: {  	[sflag:s25] =	ssyncset.done $0x0  }
0x8a: {  	s18 =	sadd.s32 s17, s21;
	[sflag:s25] =	ssyncadd.s32 $0xFFFFF800  }
0x8b: {  	[tilespmem:s14], [sflag:$0x4] =	stream.linear.gather [hbm4b:s18+s4], $0x80, $0x38;
	[tilespmem:$0x1C400] =	vst v63  }
0x8c: {  	s18 =	sadd.s32 s17, s20  }
0x8d: {  	[tilespmem:s15], [sflag:$0x8] =	stream.linear.gather [hbm4b:s18+s4], $0x80, $0x38;
	[tilespmem:$0x1C400] =	vst v63  }
0x8e: {  	_ =	swait.ge [sflag:s5], $0x80  }
0x8f: {  	[sflag:s5] =	ssyncset.done $0x0  }
0x90: {  	[sflag:s5] =	ssyncadd.s32 $0xFFFFFF80  }
0x91: {  	_ =	swait.ge [sflag:s16], $0x80  }
0x92: {  	[sflag:s16] =	ssyncset.done $0x0  }
0x93: {  	[sflag:s16] =	ssyncadd.s32 $0xFFFFFF80  }
0x94: {  	[tilespmem:s6], [sflag:$0xA] =	stream.indirect.gather [hbm4b:s0+s28], $0x80, s14, s28, $0xb8;
	[tilespmem:$0x1C400] =	vst v63  }
0x95: {  	_ =	swait.ge [sflag:s7], $0x4000  }
0x96: {  	p0 =	seq.s32 s17, $0x4C0;
	[sflag:s7] =	ssyncset.done $0x0  }
.Ltmp3:
0x97: {  	[sflag:s7] =	ssyncadd.s32 $0xFFFFC000;
	(pc) =	sbr.rel @p0 .LBB2_6-.Ltmp3, $4  }
0x98: {  	[spmem:s3] =	stream.indirect.scatter.add.f32 [tilespmem:s24], [sflag:$0xB], $0x80, s10, s8, $0xb8;
	[tilespmem:$0x1C400] =	vst v63  }
0x99: {  	_ =	swait.ge [sflag:s25], $0x800  }
0x9a: {  	[sflag:s25] =	ssyncset.done $0x0  }
0x9b: {  	[sflag:s25] =	ssyncadd.s32 $0xFFFFF800  }
0x9c: {  	s18 =	sadd.s32 s17, s19  }
0x9d: {  	[tilespmem:s4], [sflag:$0x1] =	stream.linear.gather [hbm4b:s18+s4], $0x80, $0x38;
	[tilespmem:$0x1C400] =	vst v63  }
0x9e: {  	s18 =	rddreg [dreg:$0x11]  }
0x9f: {  	s18 =	sadd.s32 s17, s18  }
0xa0: {  	[tilespmem:s26], [sflag:$0x5] =	stream.linear.gather [hbm4b:s18+s4], $0x80, $0x38;
	[tilespmem:$0x1C400] =	vst v63  }
0xa1: {  	_ =	swait.ge [sflag:s30], $0x80  }
0xa2: {  	[sflag:s30] =	ssyncset.done $0x0  }
0xa3: {  	[sflag:s30] =	ssyncadd.s32 $0xFFFFFF80  }
0xa4: {  	_ =	swait.ge [sflag:s31], $0x80  }
0xa5: {  	[sflag:s31] =	ssyncset.done $0x0  }
0xa6: {  	[sflag:s31] =	ssyncadd.s32 $0xFFFFFF80  }
0xa7: {  	[tilespmem:s24], [sflag:$0x9] =	stream.indirect.gather [hbm4b:s0+s28], $0x80, s4, s28, $0xb8;
	[tilespmem:$0x1C400] =	vst v63  }
0xa8: {  	_ =	swait.ge [sflag:s13], $0x4000  }
0xa9: {  	[sflag:s13] =	ssyncset.done $0x0  }
0xaa: {  	[sflag:s13] =	ssyncadd.s32 $0xFFFFC000  }
0xab: {  	[spmem:s3] =	stream.indirect.scatter.add.f32 [tilespmem:s6], [sflag:$0xB], $0x80, s15, s8, $0xb8;
	[tilespmem:$0x1C400] =	vst v63  }
0xac: {  	_ =	swait.ge [sflag:s25], $0x800  }
0xad: {  	[sflag:s25] =	ssyncset.done $0x0;
	s18 =	rddreg [dreg:$0x10]  }
.Ltmp4:
0xae: {  	[sflag:s25] =	ssyncadd.s32 $0xFFFFF800;
	s18 =	sadd.s32 s17, s18;
	(pc) =	sbr.rel .LBB2_4-.Ltmp4, $4  }
0xaf: {  	[tilespmem:s28], [sflag:$0x2] =	stream.linear.gather [hbm4b:s18+s4], $0x80, $0x38;
	[tilespmem:$0x1C400] =	vst v63  }
0xb0: {  	s18 =	rddreg [dreg:$0xf]  }
0xb1: {  	s18 =	sadd.s32 s17, s18;
	s17 =	sadd.s32 $0x40, s17  }
0xb2: {  	[tilespmem:s29], [sflag:$0x6] =	stream.linear.gather [hbm4b:s18+s4], $0x80, $0x38;
	[tilespmem:$0x1C400] =	vst v63  }
.LBB2_7:
0xb3: {  	_ =	sfence.sel $0x180000  }
0xb4: {  	[bflag:$0x0] =	sbarrier.arrive $0xFFFF  }
0xb5: {  	_ =	strace $0x90000047  }
0xb6: {  	s0 =	stileid.u32;
	[bflag:$0x2] =	sbarrier.arrive $0xFFFF  }
0xb7: {  	p0 =	sne.s32 s0, $0x0;
	s0 =	rddreg [dreg:$0x3]  }
0xb8: {  	s0 =	sadd.s32 @!p0 $0x100000, s0  }
0xb9: {  	[sflag:s0] =	ssyncadd.tile.s32 @!p0 $0x1;
	_ =	shalt  }
.Lfunc_end2:
_tile_overlayer_lowered:
.L_overlay_start_2:
0xba: {  	(tag) =	ssettag $0x2  }
0xbb: {  	s0 =	rddreg [dreg:$0x0];
	s2 =	stileid.u32  }
0xbc: {  	s1 =	rddreg [dreg:$0x1];
	p0 =	sne.s32 s2, $0x0  }
0xbd: {  	s3 =	rddreg [dreg:$0x2];
	[bflag:$0x3] =	sbarrier.arrive $0xFFFF;
	s2 =	simm.s32 @!p0 $0x1C0B  }
0xbe: {  	[timem:s3], [sflag:s2] =	dma.local @!p0 [hbm:s0], s1  }
0xbf: {  	s0 =	simm.s32 @!p0 $0xB  }
0xc0: {  	_ =	swait.ge @!p0 [sflag:s0], s1  }
0xc1: {  	s1 =	ssub.s32 @!p0 $0x0, s1;
	[sflag:s0] =	ssyncset.done @!p0 $0x0  }
0xc2: {  	[sflag:s0] =	ssyncadd.s32 @!p0 s1  }
0xc3: {  	[bflag:$0x3] =	sbarrier.arrive $0xFFFF  }
0xc4: {  	_ =	shalt  }

</sc_bundles>
